<compile_context>
chip_gen: v7x
topology: tpu7x:2x2x1
jax: 0.10.2.dev20260603
libtpu: 0.0.44.dev20260713+nightly
codegen_flags: <defaults>
</compile_context>

<pallas_src>
import functools

import jax
import jax.numpy as jnp
from jax import lax
from jax.experimental import pallas as pl
from jax.experimental.pallas import tpu as pltpu
from jax.experimental.pallas import tpu_sc as plsc

_IDX_LANES = 128
_NSLOTS = 2


@functools.partial(jax.jit, static_argnames=("num_rows", "dim", "chunk_rows"))
def _sc_gather(idx2d, table, *, num_rows, dim, chunk_rows):
    info = plsc.get_sparse_core_info()
    ncores, nsub = info.num_cores, info.num_subcores
    nw = ncores * nsub
    rows_pw = num_rows // nw
    n_chunks = rows_pw // chunk_rows
    n_iters = n_chunks // _NSLOTS
    chunk_elems = chunk_rows * _IDX_LANES

    mesh = plsc.VectorSubcoreMesh(core_axis_name="c", subcore_axis_name="s")

    @functools.partial(
        pl.kernel,
        out_type=jax.ShapeDtypeStruct((num_rows * _IDX_LANES, dim), jnp.float32),
        mesh=mesh,
        scratch_types=[
            pltpu.VMEM((_NSLOTS, chunk_rows, _IDX_LANES), jnp.int32),
            pltpu.VMEM((_NSLOTS * chunk_elems, dim), jnp.float32),
            [pltpu.SemaphoreType.DMA] * _NSLOTS,
            [pltpu.SemaphoreType.DMA] * _NSLOTS,
            [pltpu.SemaphoreType.DMA] * _NSLOTS,
        ],
        compiler_params=pltpu.CompilerParams(use_tc_tiling_on_sc=False),
    )
    def k(idx_hbm, table_hbm, out_hbm, idx_v, rows_v, gsems, osems, isems):
        wid = lax.axis_index("s") * ncores + lax.axis_index("c")
        row0 = wid * rows_pw

        def idx_copy(chunk_id, slot, sem):
            return pltpu.make_async_copy(
                idx_hbm.at[pl.ds(row0 + chunk_id * chunk_rows, chunk_rows), :],
                idx_v.at[slot], sem)

        def wb_copy(chunk_id, slot, sem):
            return pltpu.make_async_copy(
                rows_v.at[pl.ds(slot * chunk_elems, chunk_elems), :],
                out_hbm.at[pl.ds((row0 + chunk_id * chunk_rows) * _IDX_LANES,
                                 chunk_elems), :],
                sem)

        for p in range(_NSLOTS):
            idx_copy(p, p, isems[p]).start()

        def body(i, carry):
            for p in range(_NSLOTS):
                g = i * _NSLOTS + p
                @pl.when(i >= 1)
                def _():
                    wb_copy(g, p, osems[p]).wait()
                idx_copy(g, p, isems[p]).wait()
                copies = [
                    pltpu.async_copy(
                        table_hbm.at[idx_v.at[p, j]],
                        rows_v.at[pl.ds(p * chunk_elems + j * _IDX_LANES,
                                        _IDX_LANES)],
                        gsems[p],
                    )
                    for j in range(chunk_rows)
                ]
                for cp in copies:
                    cp.wait()
                idx_copy(lax.rem(g + _NSLOTS, n_chunks), p, isems[p]).start()
                wb_copy(g, p, osems[p]).start()
            return carry

        lax.fori_loop(0, n_iters, body, 0)

        for p in range(_NSLOTS):
            wb_copy(0, p, osems[p]).wait()
            idx_copy(0, p, isems[p]).wait()

    return k(idx2d, table)


def kernel(token_ids, embedding_matrix):
    b, s = token_ids.shape
    _, dim = embedding_matrix.shape
    total = b * s
    num_rows = total // _IDX_LANES
    idx2d = token_ids.reshape(num_rows, _IDX_LANES).astype(jnp.int32)
    out = _sc_gather(idx2d, embedding_matrix,
                     num_rows=num_rows, dim=dim, chunk_rows=4)
    return out.reshape(b, s, dim)

# --- scband reference (transcript-rebuilt; emitter-appended) ---
"""Pipeline reference for scband-embedding-66718021976467 (READ-ONLY COPY).

The authoritative reference and input builder live on the scoring server;
editing this copy changes nothing except your own understanding.
"""

import jax, jax.numpy as jnp
import numpy as np

NUM_EMBEDDINGS = 1000000
EMBEDDING_DIM = 64

def setup_inputs(seed: int = 0) -> dict:
    key = jax.random.key(seed)
    k1, k2 = jax.random.split(key)
    token_ids = jax.random.randint(k1, (4096, 200), 0, NUM_EMBEDDINGS, dtype=jnp.int64 if jax.config.jax_enable_x64 else jnp.int32)
    # trunc_normal_(mean=0, std=1, a=-3, b=3)
    embedding_matrix = jax.random.truncated_normal(k2, -3.0, 3.0, (NUM_EMBEDDINGS, EMBEDDING_DIM), dtype=jnp.float32)
    return {"token_ids": token_ids, "embedding_matrix": embedding_matrix}

def reference(token_ids, embedding_matrix):
    # output = self.embedding_matrix[token_ids]
    output = jnp.take(embedding_matrix, token_ids, axis=0)
    return output

if __name__ == "__main__":
    import jax
    _d = setup_inputs()
    print(jax.jit(kernel)(*tuple(_d.values())))

</pallas_src>

<mosaic_0001>
#map = affine_map<(d0, d1) -> (0, 0)>
module attributes {stable_mosaic.version = 14 : i64} {
  func.func @k(%arg0: i32, %arg1: i32, %arg2: memref<6400x128xi32, #tpu.memory_space<hbm>>, %arg3: memref<1000000x64xf32, #tpu.memory_space<hbm>>, %arg4: memref<819200x64xf32, #tpu.memory_space<hbm>>, %arg5: memref<2x4x128xi32, #tpu.memory_space<vmem>>, %arg6: memref<1024x64xf32, #tpu.memory_space<vmem>>, %arg7: memref<!tpu.dma_semaphore, #tpu.memory_space<semaphore_mem>>, %arg8: memref<!tpu.dma_semaphore, #tpu.memory_space<semaphore_mem>>, %arg9: memref<!tpu.dma_semaphore, #tpu.memory_space<semaphore_mem>>, %arg10: memref<!tpu.dma_semaphore, #tpu.memory_space<semaphore_mem>>, %arg11: memref<!tpu.dma_semaphore, #tpu.memory_space<semaphore_mem>>, %arg12: memref<!tpu.dma_semaphore, #tpu.memory_space<semaphore_mem>>) attributes {dimension_semantics = [#tpu.dimension_semantics<core_parallel>, #tpu.dimension_semantics<subcore_parallel>], iteration_bounds = array<i64: 2, 16>, scalar_prefetch = 0 : i64, scratch_operands = 8 : i64, tpu.core_type = #tpu.core_type<sc_vector_subcore>, window_params = [{transform_indices = #map}, {transform_indices = #map}, {transform_indices = #map}]} {
    %mul3A = arith.constant 2 : i32
    %mul3A_0 = arith.muli %arg1, %mul3A : i32
    %add3A = arith.addi %mul3A_0, %arg0 : i32
    %mul3A_1 = arith.constant 200 : i32
    %mul3A_2 = arith.muli %add3A, %mul3A_1 : i32
    %add3A_3 = arith.constant 0 : i32
    %add3A_4 = arith.addi %mul3A_2, %add3A_3 : i32
    %dma_start3A = arith.constant 0 : i32
    %dma_start3A_5 = arith.constant 0 : i32
    %dma_start3A_6 = arith.constant 0 : i32
    %dma_start3A_7 = tpu.memref_slice %arg5[%dma_start3A, %dma_start3A_5, %dma_start3A_6] : memref<2x4x128xi32, #tpu.memory_space<vmem>> -> memref<1x4x128xi32, #tpu.memory_space<vmem>>
    %dma_start3A_8 = tpu.memref_squeeze %dma_start3A_7 : memref<1x4x128xi32, #tpu.memory_space<vmem>> -> memref<4x128xi32, #tpu.memory_space<vmem>>
    %dma_start3A_9 = arith.constant 0 : i32
    %dma_start3A_10 = tpu.memref_slice %arg2[%add3A_4, %dma_start3A_9] : memref<6400x128xi32, #tpu.memory_space<hbm>> -> memref<4x128xi32, #tpu.memory_space<hbm>>
    %dma_start3A_11 = arith.constant 0 : i32
    %dma_start3A_12 = arith.constant 0 : i32
    %dma_start3A_13 = tpu.memref_slice %arg5[%dma_start3A, %dma_start3A_11, %dma_start3A_12] : memref<2x4x128xi32, #tpu.memory_space<vmem>> -> memref<1x4x128xi32, #tpu.memory_space<vmem>>
    %dma_start3A_14 = tpu.memref_squeeze %dma_start3A_13 : memref<1x4x128xi32, #tpu.memory_space<vmem>> -> memref<4x128xi32, #tpu.memory_space<vmem>>
    %dma_start3A_15 = arith.constant 0 : i32
    %dma_start3A_16 = tpu.memref_slice %arg2[%add3A_4, %dma_start3A_15] : memref<6400x128xi32, #tpu.memory_space<hbm>> -> memref<4x128xi32, #tpu.memory_space<hbm>>
    tpu.enqueue_dma source(%dma_start3A_16 : memref<4x128xi32, #tpu.memory_space<hbm>>) target(%dma_start3A_14 : memref<4x128xi32, #tpu.memory_space<vmem>>) target_semaphore(%arg11 : memref<!tpu.dma_semaphore, #tpu.memory_space<semaphore_mem>>)
    %add3A_17 = arith.constant 4 : i32
    %add3A_18 = arith.addi %mul3A_2, %add3A_17 : i32
    %dma_start3A_19 = arith.constant 1 : i32
    %dma_start3A_20 = arith.constant 0 : i32
    %dma_start3A_21 = arith.constant 0 : i32
    %dma_start3A_22 = tpu.memref_slice %arg5[%dma_start3A_19, %dma_start3A_20, %dma_start3A_21] : memref<2x4x128xi32, #tpu.memory_space<vmem>> -> memref<1x4x128xi32, #tpu.memory_space<vmem>>
    %dma_start3A_23 = tpu.memref_squeeze %dma_start3A_22 : memref<1x4x128xi32, #tpu.memory_space<vmem>> -> memref<4x128xi32, #tpu.memory_space<vmem>>
    %dma_start3A_24 = arith.constant 0 : i32
    %dma_start3A_25 = tpu.memref_slice %arg2[%add3A_18, %dma_start3A_24] : memref<6400x128xi32, #tpu.memory_space<hbm>> -> memref<4x128xi32, #tpu.memory_space<hbm>>
    %dma_start3A_26 = arith.constant 0 : i32
    %dma_start3A_27 = arith.constant 0 : i32
    %dma_start3A_28 = tpu.memref_slice %arg5[%dma_start3A_19, %dma_start3A_26, %dma_start3A_27] : memref<2x4x128xi32, #tpu.memory_space<vmem>> -> memref<1x4x128xi32, #tpu.memory_space<vmem>>
    %dma_start3A_29 = tpu.memref_squeeze %dma_start3A_28 : memref<1x4x128xi32, #tpu.memory_space<vmem>> -> memref<4x128xi32, #tpu.memory_space<vmem>>
    %dma_start3A_30 = arith.constant 0 : i32
    %dma_start3A_31 = tpu.memref_slice %arg2[%add3A_18, %dma_start3A_30] : memref<6400x128xi32, #tpu.memory_space<hbm>> -> memref<4x128xi32, #tpu.memory_space<hbm>>
    tpu.enqueue_dma source(%dma_start3A_31 : memref<4x128xi32, #tpu.memory_space<hbm>>) target(%dma_start3A_29 : memref<4x128xi32, #tpu.memory_space<vmem>>) target_semaphore(%arg12 : memref<!tpu.dma_semaphore, #tpu.memory_space<semaphore_mem>>)
    %scan3A = arith.constant 0 : i32
    %scan3A_32 = arith.constant 0 : i32
    %scan3A_33 = arith.constant 25 : i32
    %scan3A_34 = arith.addi %scan3A_32, %scan3A_33 : i32
    %scan3A_35 = arith.constant 1 : i32
    scf.for %scan3A_94 = %scan3A_32 to %scan3A_34 step %scan3A_35  : i32 {
      %mul3A_95 = arith.constant 2 : i32
      %mul3A_96 = arith.muli %scan3A_94, %mul3A_95 : i32
      %add3A_97 = arith.constant 0 : i32
      %add3A_98 = arith.addi %mul3A_96, %add3A_97 : i32
      %ge3A = arith.constant 1 : i32
      %ge3A_99 = arith.cmpi sge, %scan3A_94, %ge3A : i32
      %convert_element_type3A = arith.extui %ge3A_99 : i1 to i32
      %cond3A = arith.constant 0 : i32
      %cond3A_100 = arith.cmpi ne, %convert_element_type3A, %cond3A : i32
      scf.if %cond3A_100 {
        %mul3A_387 = arith.constant 4 : i32
        %mul3A_388 = arith.muli %add3A_98, %mul3A_387 : i32
        %add3A_389 = arith.addi %mul3A_2, %mul3A_388 : i32
        %mul3A_390 = arith.constant 128 : i32
        %mul3A_391 = arith.muli %add3A_389, %mul3A_390 : i32
        %dma_wait3A_392 = arith.constant 0 : i32
        %dma_wait3A_393 = arith.constant 0 : i32
        %dma_wait3A_394 = tpu.memref_slice %arg6[%dma_wait3A_392, %dma_wait3A_393] : memref<1024x64xf32, #tpu.memory_space<vmem>> -> memref<512x64xf32, #tpu.memory_space<vmem>>
        %dma_wait3A_395 = arith.constant 0 : i32
        %dma_wait3A_396 = tpu.memref_slice %arg4[%mul3A_391, %dma_wait3A_395] : memref<819200x64xf32, #tpu.memory_space<hbm>> -> memref<512x64xf32, #tpu.memory_space<hbm>>
        %dma_wait3A_397 = arith.constant 0 : i32
        %dma_wait3A_398 = tpu.memref_slice %arg4[%mul3A_391, %dma_wait3A_397] : memref<819200x64xf32, #tpu.memory_space<hbm>> -> memref<512x64xf32, #tpu.memory_space<hbm>>
        %dma_wait3A_399 = arith.constant 0 : i32
        %dma_wait3A_400 = arith.constant 0 : i32
        %dma_wait3A_401 = tpu.memref_slice %arg6[%dma_wait3A_399, %dma_wait3A_400] : memref<1024x64xf32, #tpu.memory_space<vmem>> -> memref<512x64xf32, #tpu.memory_space<vmem>>
        tpu.wait_dma2 semaphore(%arg9 : memref<!tpu.dma_semaphore, #tpu.memory_space<semaphore_mem>>) src(%dma_wait3A_401 : memref<512x64xf32, #tpu.memory_space<vmem>>) dst(%dma_wait3A_398 : memref<512x64xf32, #tpu.memory_space<hbm>>)
      } else {
      }
      %mul3A_101 = arith.constant 4 : i32
      %mul3A_102 = arith.muli %add3A_98, %mul3A_101 : i32
      %add3A_103 = arith.addi %mul3A_2, %mul3A_102 : i32
      %dma_wait3A_104 = arith.constant 0 : i32
      %dma_wait3A_105 = arith.constant 0 : i32
      %dma_wait3A_106 = arith.constant 0 : i32
      %dma_wait3A_107 = tpu.memref_slice %arg5[%dma_wait3A_104, %dma_wait3A_105, %dma_wait3A_106] : memref<2x4x128xi32, #tpu.memory_space<vmem>> -> memref<1x4x128xi32, #tpu.memory_space<vmem>>
      %dma_wait3A_108 = tpu.memref_squeeze %dma_wait3A_107 : memref<1x4x128xi32, #tpu.memory_space<vmem>> -> memref<4x128xi32, #tpu.memory_space<vmem>>
      %dma_wait3A_109 = arith.constant 0 : i32
      %dma_wait3A_110 = tpu.memref_slice %arg2[%add3A_103, %dma_wait3A_109] : memref<6400x128xi32, #tpu.memory_space<hbm>> -> memref<4x128xi32, #tpu.memory_space<hbm>>
      %dma_wait3A_111 = arith.constant 0 : i32
      %dma_wait3A_112 = arith.constant 0 : i32
      %dma_wait3A_113 = tpu.memref_slice %arg5[%dma_wait3A_104, %dma_wait3A_111, %dma_wait3A_112] : memref<2x4x128xi32, #tpu.memory_space<vmem>> -> memref<1x4x128xi32, #tpu.memory_space<vmem>>
      %dma_wait3A_114 = tpu.memref_squeeze %dma_wait3A_113 : memref<1x4x128xi32, #tpu.memory_space<vmem>> -> memref<4x128xi32, #tpu.memory_space<vmem>>
      %dma_wait3A_115 = arith.constant 0 : i32
      %dma_wait3A_116 = tpu.memref_slice %arg2[%add3A_103, %dma_wait3A_115] : memref<6400x128xi32, #tpu.memory_space<hbm>> -> memref<4x128xi32, #tpu.memory_space<hbm>>
      tpu.wait_dma2 semaphore(%arg11 : memref<!tpu.dma_semaphore, #tpu.memory_space<semaphore_mem>>) src(%dma_wait3A_116 : memref<4x128xi32, #tpu.memory_space<hbm>>) dst(%dma_wait3A_114 : memref<4x128xi32, #tpu.memory_space<vmem>>)
      %dma_start3A_117 = arith.constant 0 : i32
      %dma_start3A_118 = arith.constant 0 : i32
      %dma_start3A_119 = arith.constant 0 : i32
      %dma_start3A_120 = arith.constant 0 : i32
      %dma_start3A_121 = tpu.memref_slice %arg6[%dma_start3A_119, %dma_start3A_120] : memref<1024x64xf32, #tpu.memory_space<vmem>> -> memref<128x64xf32, #tpu.memory_space<vmem>>
      %dma_start3A_122 = arith.constant 0 : i32
      %dma_start3A_123 = tpu.memref_slice %arg5[%dma_start3A_117, %dma_start3A_118, %dma_start3A_122] : memref<2x4x128xi32, #tpu.memory_space<vmem>> -> memref<1x1x128xi32, #tpu.memory_space<vmem>>
      %dma_start3A_124 = tpu.memref_squeeze %dma_start3A_123 : memref<1x1x128xi32, #tpu.memory_space<vmem>> -> memref<128xi32, #tpu.memory_space<vmem>>
      %dma_start3A_125 = arith.constant 0 : i32
      %dma_start3A_126 = arith.constant 0 : i32
      %dma_start3A_127 = tpu.memref_slice %arg3[%dma_start3A_125, %dma_start3A_126] : memref<1000000x64xf32, #tpu.memory_space<hbm>> -> memref<1000000x64xf32, #tpu.memory_space<hbm>>
      tpu.enqueue_indirect_dma source(%dma_start3A_127 : memref<1000000x64xf32, #tpu.memory_space<hbm>>) target(%dma_start3A_121 : memref<128x64xf32, #tpu.memory_space<vmem>>) offsets(%dma_start3A_124 : memref<128xi32, #tpu.memory_space<vmem>>) semaphore(%arg7 : memref<!tpu.dma_semaphore, #tpu.memory_space<semaphore_mem>>)
      %dma_start3A_128 = arith.constant 0 : i32
      %dma_start3A_129 = arith.constant 1 : i32
      %dma_start3A_130 = arith.constant 128 : i32
      %dma_start3A_131 = arith.constant 0 : i32
      %dma_start3A_132 = tpu.memref_slice %arg6[%dma_start3A_130, %dma_start3A_131] : memref<1024x64xf32, #tpu.memory_space<vmem>> -> memref<128x64xf32, #tpu.memory_space<vmem>>
      %dma_start3A_133 = arith.constant 0 : i32
      %dma_start3A_134 = tpu.memref_slice %arg5[%dma_start3A_128, %dma_start3A_129, %dma_start3A_133] : memref<2x4x128xi32, #tpu.memory_space<vmem>> -> memref<1x1x128xi32, #tpu.memory_space<vmem>>
      %dma_start3A_135 = tpu.memref_squeeze %dma_start3A_134 : memref<1x1x128xi32, #tpu.memory_space<vmem>> -> memref<128xi32, #tpu.memory_space<vmem>>
      %dma_start3A_136 = arith.constant 0 : i32
      %dma_start3A_137 = arith.constant 0 : i32
      %dma_start3A_138 = tpu.memref_slice %arg3[%dma_start3A_136, %dma_start3A_137] : memref<1000000x64xf32, #tpu.memory_space<hbm>> -> memref<1000000x64xf32, #tpu.memory_space<hbm>>
      tpu.enqueue_indirect_dma source(%dma_start3A_138 : memref<1000000x64xf32, #tpu.memory_space<hbm>>) target(%dma_start3A_132 : memref<128x64xf32, #tpu.memory_space<vmem>>) offsets(%dma_start3A_135 : memref<128xi32, #tpu.memory_space<vmem>>) semaphore(%arg7 : memref<!tpu.dma_semaphore, #tpu.memory_space<semaphore_mem>>)
      %dma_start3A_139 = arith.constant 0 : i32
      %dma_start3A_140 = arith.constant 2 : i32
      %dma_start3A_141 = arith.constant 256 : i32
      %dma_start3A_142 = arith.constant 0 : i32
      %dma_start3A_143 = tpu.memref_slice %arg6[%dma_start3A_141, %dma_start3A_142] : memref<1024x64xf32, #tpu.memory_space<vmem>> -> memref<128x64xf32, #tpu.memory_space<vmem>>
      %dma_start3A_144 = arith.constant 0 : i32
      %dma_start3A_145 = tpu.memref_slice %arg5[%dma_start3A_139, %dma_start3A_140, %dma_start3A_144] : memref<2x4x128xi32, #tpu.memory_space<vmem>> -> memref<1x1x128xi32, #tpu.memory_space<vmem>>
      %dma_start3A_146 = tpu.memref_squeeze %dma_start3A_145 : memref<1x1x128xi32, #tpu.memory_space<vmem>> -> memref<128xi32, #tpu.memory_space<vmem>>
      %dma_start3A_147 = arith.constant 0 : i32
      %dma_start3A_148 = arith.constant 0 : i32
      %dma_start3A_149 = tpu.memref_slice %arg3[%dma_start3A_147, %dma_start3A_148] : memref<1000000x64xf32, #tpu.memory_space<hbm>> -> memref<1000000x64xf32, #tpu.memory_space<hbm>>
      tpu.enqueue_indirect_dma source(%dma_start3A_149 : memref<1000000x64xf32, #tpu.memory_space<hbm>>) target(%dma_start3A_143 : memref<128x64xf32, #tpu.memory_space<vmem>>) offsets(%dma_start3A_146 : memref<128xi32, #tpu.memory_space<vmem>>) semaphore(%arg7 : memref<!tpu.dma_semaphore, #tpu.memory_space<semaphore_mem>>)
      %dma_start3A_150 = arith.constant 0 : i32
      %dma_start3A_151 = arith.constant 3 : i32
      %dma_start3A_152 = arith.constant 384 : i32
      %dma_start3A_153 = arith.constant 0 : i32
      %dma_start3A_154 = tpu.memref_slice %arg6[%dma_start3A_152, %dma_start3A_153] : memref<1024x64xf32, #tpu.memory_space<vmem>> -> memref<128x64xf32, #tpu.memory_space<vmem>>
      %dma_start3A_155 = arith.constant 0 : i32
      %dma_start3A_156 = tpu.memref_slice %arg5[%dma_start3A_150, %dma_start3A_151, %dma_start3A_155] : memref<2x4x128xi32, #tpu.memory_space<vmem>> -> memref<1x1x128xi32, #tpu.memory_space<vmem>>
      %dma_start3A_157 = tpu.memref_squeeze %dma_start3A_156 : memref<1x1x128xi32, #tpu.memory_space<vmem>> -> memref<128xi32, #tpu.memory_space<vmem>>
      %dma_start3A_158 = arith.constant 0 : i32
      %dma_start3A_159 = arith.constant 0 : i32
      %dma_start3A_160 = tpu.memref_slice %arg3[%dma_start3A_158, %dma_start3A_159] : memref<1000000x64xf32, #tpu.memory_space<hbm>> -> memref<1000000x64xf32, #tpu.memory_space<hbm>>
      tpu.enqueue_indirect_dma source(%dma_start3A_160 : memref<1000000x64xf32, #tpu.memory_space<hbm>>) target(%dma_start3A_154 : memref<128x64xf32, #tpu.memory_space<vmem>>) offsets(%dma_start3A_157 : memref<128xi32, #tpu.memory_space<vmem>>) semaphore(%arg7 : memref<!tpu.dma_semaphore, #tpu.memory_space<semaphore_mem>>)
      %dma_wait3A_161 = arith.constant 0 : i32
      %dma_wait3A_162 = arith.constant 0 : i32
      %dma_wait3A_163 = arith.constant 0 : i32
      %dma_wait3A_164 = arith.constant 0 : i32
      %dma_wait3A_165 = tpu.memref_slice %arg6[%dma_wait3A_163, %dma_wait3A_164] : memref<1024x64xf32, #tpu.memory_space<vmem>> -> memref<128x64xf32, #tpu.memory_space<vmem>>
      %dma_wait3A_166 = arith.constant 0 : i32
      %dma_wait3A_167 = tpu.memref_slice %arg5[%dma_wait3A_161, %dma_wait3A_162, %dma_wait3A_166] : memref<2x4x128xi32, #tpu.memory_space<vmem>> -> memref<1x1x128xi32, #tpu.memory_space<vmem>>
      %dma_wait3A_168 = tpu.memref_squeeze %dma_wait3A_167 : memref<1x1x128xi32, #tpu.memory_space<vmem>> -> memref<128xi32, #tpu.memory_space<vmem>>
      %dma_wait3A_169 = arith.constant 0 : i32
      %dma_wait3A_170 = arith.constant 0 : i32
      %dma_wait3A_171 = tpu.memref_slice %arg3[%dma_wait3A_169, %dma_wait3A_170] : memref<1000000x64xf32, #tpu.memory_space<hbm>> -> memref<1000000x64xf32, #tpu.memory_space<hbm>>
      tpu.wait_indirect_dma semaphore(%arg7 : memref<!tpu.dma_semaphore, #tpu.memory_space<semaphore_mem>>) src(%dma_wait3A_171 : memref<1000000x64xf32, #tpu.memory_space<hbm>>) dst(%dma_wait3A_165 : memref<128x64xf32, #tpu.memory_space<vmem>>)
      %dma_wait3A_172 = arith.constant 0 : i32
      %dma_wait3A_173 = arith.constant 1 : i32
      %dma_wait3A_174 = arith.constant 128 : i32
      %dma_wait3A_175 = arith.constant 0 : i32
      %dma_wait3A_176 = tpu.memref_slice %arg6[%dma_wait3A_174, %dma_wait3A_175] : memref<1024x64xf32, #tpu.memory_space<vmem>> -> memref<128x64xf32, #tpu.memory_space<vmem>>
      %dma_wait3A_177 = arith.constant 0 : i32
      %dma_wait3A_178 = tpu.memref_slice %arg5[%dma_wait3A_172, %dma_wait3A_173, %dma_wait3A_177] : memref<2x4x128xi32, #tpu.memory_space<vmem>> -> memref<1x1x128xi32, #tpu.memory_space<vmem>>
      %dma_wait3A_179 = tpu.memref_squeeze %dma_wait3A_178 : memref<1x1x128xi32, #tpu.memory_space<vmem>> -> memref<128xi32, #tpu.memory_space<vmem>>
      %dma_wait3A_180 = arith.constant 0 : i32
      %dma_wait3A_181 = arith.constant 0 : i32
      %dma_wait3A_182 = tpu.memref_slice %arg3[%dma_wait3A_180, %dma_wait3A_181] : memref<1000000x64xf32, #tpu.memory_space<hbm>> -> memref<1000000x64xf32, #tpu.memory_space<hbm>>
      tpu.wait_indirect_dma semaphore(%arg7 : memref<!tpu.dma_semaphore, #tpu.memory_space<semaphore_mem>>) src(%dma_wait3A_182 : memref<1000000x64xf32, #tpu.memory_space<hbm>>) dst(%dma_wait3A_176 : memref<128x64xf32, #tpu.memory_space<vmem>>)
      %dma_wait3A_183 = arith.constant 0 : i32
      %dma_wait3A_184 = arith.constant 2 : i32
      %dma_wait3A_185 = arith.constant 256 : i32
      %dma_wait3A_186 = arith.constant 0 : i32
      %dma_wait3A_187 = tpu.memref_slice %arg6[%dma_wait3A_185, %dma_wait3A_186] : memref<1024x64xf32, #tpu.memory_space<vmem>> -> memref<128x64xf32, #tpu.memory_space<vmem>>
      %dma_wait3A_188 = arith.constant 0 : i32
      %dma_wait3A_189 = tpu.memref_slice %arg5[%dma_wait3A_183, %dma_wait3A_184, %dma_wait3A_188] : memref<2x4x128xi32, #tpu.memory_space<vmem>> -> memref<1x1x128xi32, #tpu.memory_space<vmem>>
      %dma_wait3A_190 = tpu.memref_squeeze %dma_wait3A_189 : memref<1x1x128xi32, #tpu.memory_space<vmem>> -> memref<128xi32, #tpu.memory_space<vmem>>
      %dma_wait3A_191 = arith.constant 0 : i32
      %dma_wait3A_192 = arith.constant 0 : i32
      %dma_wait3A_193 = tpu.memref_slice %arg3[%dma_wait3A_191, %dma_wait3A_192] : memref<1000000x64xf32, #tpu.memory_space<hbm>> -> memref<1000000x64xf32, #tpu.memory_space<hbm>>
      tpu.wait_indirect_dma semaphore(%arg7 : memref<!tpu.dma_semaphore, #tpu.memory_space<semaphore_mem>>) src(%dma_wait3A_193 : memref<1000000x64xf32, #tpu.memory_space<hbm>>) dst(%dma_wait3A_187 : memref<128x64xf32, #tpu.memory_space<vmem>>)
      %dma_wait3A_194 = arith.constant 0 : i32
      %dma_wait3A_195 = arith.constant 3 : i32
      %dma_wait3A_196 = arith.constant 384 : i32
      %dma_wait3A_197 = arith.constant 0 : i32
      %dma_wait3A_198 = tpu.memref_slice %arg6[%dma_wait3A_196, %dma_wait3A_197] : memref<1024x64xf32, #tpu.memory_space<vmem>> -> memref<128x64xf32, #tpu.memory_space<vmem>>
      %dma_wait3A_199 = arith.constant 0 : i32
      %dma_wait3A_200 = tpu.memref_slice %arg5[%dma_wait3A_194, %dma_wait3A_195, %dma_wait3A_199] : memref<2x4x128xi32, #tpu.memory_space<vmem>> -> memref<1x1x128xi32, #tpu.memory_space<vmem>>
      %dma_wait3A_201 = tpu.memref_squeeze %dma_wait3A_200 : memref<1x1x128xi32, #tpu.memory_space<vmem>> -> memref<128xi32, #tpu.memory_space<vmem>>
      %dma_wait3A_202 = arith.constant 0 : i32
      %dma_wait3A_203 = arith.constant 0 : i32
      %dma_wait3A_204 = tpu.memref_slice %arg3[%dma_wait3A_202, %dma_wait3A_203] : memref<1000000x64xf32, #tpu.memory_space<hbm>> -> memref<1000000x64xf32, #tpu.memory_space<hbm>>
      tpu.wait_indirect_dma semaphore(%arg7 : memref<!tpu.dma_semaphore, #tpu.memory_space<semaphore_mem>>) src(%dma_wait3A_204 : memref<1000000x64xf32, #tpu.memory_space<hbm>>) dst(%dma_wait3A_198 : memref<128x64xf32, #tpu.memory_space<vmem>>)
      %add3A_205 = arith.constant 2 : i32
      %add3A_206 = arith.addi %add3A_98, %add3A_205 : i32
      %rem3A = arith.constant 50 : i32
      %rem3A_207 = arith.remsi %add3A_206, %rem3A : i32
      %mul3A_208 = arith.constant 4 : i32
      %mul3A_209 = arith.muli %rem3A_207, %mul3A_208 : i32
      %add3A_210 = arith.addi %mul3A_2, %mul3A_209 : i32
      %dma_start3A_211 = arith.constant 0 : i32
      %dma_start3A_212 = arith.constant 0 : i32
      %dma_start3A_213 = arith.constant 0 : i32
      %dma_start3A_214 = tpu.memref_slice %arg5[%dma_start3A_211, %dma_start3A_212, %dma_start3A_213] : memref<2x4x128xi32, #tpu.memory_space<vmem>> -> memref<1x4x128xi32, #tpu.memory_space<vmem>>
      %dma_start3A_215 = tpu.memref_squeeze %dma_start3A_214 : memref<1x4x128xi32, #tpu.memory_space<vmem>> -> memref<4x128xi32, #tpu.memory_space<vmem>>
      %dma_start3A_216 = arith.constant 0 : i32
      %dma_start3A_217 = tpu.memref_slice %arg2[%add3A_210, %dma_start3A_216] : memref<6400x128xi32, #tpu.memory_space<hbm>> -> memref<4x128xi32, #tpu.memory_space<hbm>>
      %dma_start3A_218 = arith.constant 0 : i32
      %dma_start3A_219 = arith.constant 0 : i32
      %dma_start3A_220 = tpu.memref_slice %arg5[%dma_start3A_211, %dma_start3A_218, %dma_start3A_219] : memref<2x4x128xi32, #tpu.memory_space<vmem>> -> memref<1x4x128xi32, #tpu.memory_space<vmem>>
      %dma_start3A_221 = tpu.memref_squeeze %dma_start3A_220 : memref<1x4x128xi32, #tpu.memory_space<vmem>> -> memref<4x128xi32, #tpu.memory_space<vmem>>
      %dma_start3A_222 = arith.constant 0 : i32
      %dma_start3A_223 = tpu.memref_slice %arg2[%add3A_210, %dma_start3A_222] : memref<6400x128xi32, #tpu.memory_space<hbm>> -> memref<4x128xi32, #tpu.memory_space<hbm>>
      tpu.enqueue_dma source(%dma_start3A_223 : memref<4x128xi32, #tpu.memory_space<hbm>>) target(%dma_start3A_221 : memref<4x128xi32, #tpu.memory_space<vmem>>) target_semaphore(%arg11 : memref<!tpu.dma_semaphore, #tpu.memory_space<semaphore_mem>>)
      %mul3A_224 = arith.constant 4 : i32
      %mul3A_225 = arith.muli %add3A_98, %mul3A_224 : i32
      %add3A_226 = arith.addi %mul3A_2, %mul3A_225 : i32
      %mul3A_227 = arith.constant 128 : i32
      %mul3A_228 = arith.muli %add3A_226, %mul3A_227 : i32
      %dma_start3A_229 = arith.constant 0 : i32
      %dma_start3A_230 = arith.constant 0 : i32
      %dma_start3A_231 = tpu.memref_slice %arg6[%dma_start3A_229, %dma_start3A_230] : memref<1024x64xf32, #tpu.memory_space<vmem>> -> memref<512x64xf32, #tpu.memory_space<vmem>>
      %dma_start3A_232 = arith.constant 0 : i32
      %dma_start3A_233 = tpu.memref_slice %arg4[%mul3A_228, %dma_start3A_232] : memref<819200x64xf32, #tpu.memory_space<hbm>> -> memref<512x64xf32, #tpu.memory_space<hbm>>
      %dma_start3A_234 = arith.constant 0 : i32
      %dma_start3A_235 = tpu.memref_slice %arg4[%mul3A_228, %dma_start3A_234] : memref<819200x64xf32, #tpu.memory_space<hbm>> -> memref<512x64xf32, #tpu.memory_space<hbm>>
      %dma_start3A_236 = arith.constant 0 : i32
      %dma_start3A_237 = arith.constant 0 : i32
      %dma_start3A_238 = tpu.memref_slice %arg6[%dma_start3A_236, %dma_start3A_237] : memref<1024x64xf32, #tpu.memory_space<vmem>> -> memref<512x64xf32, #tpu.memory_space<vmem>>
      tpu.enqueue_dma source(%dma_start3A_238 : memref<512x64xf32, #tpu.memory_space<vmem>>) target(%dma_start3A_235 : memref<512x64xf32, #tpu.memory_space<hbm>>) target_semaphore(%arg9 : memref<!tpu.dma_semaphore, #tpu.memory_space<semaphore_mem>>)
      %mul3A_239 = arith.constant 2 : i32
      %mul3A_240 = arith.muli %scan3A_94, %mul3A_239 : i32
      %add3A_241 = arith.constant 1 : i32
      %add3A_242 = arith.addi %mul3A_240, %add3A_241 : i32
      %ge3A_243 = arith.constant 1 : i32
      %ge3A_244 = arith.cmpi sge, %scan3A_94, %ge3A_243 : i32
      %convert_element_type3A_245 = arith.extui %ge3A_244 : i1 to i32
      %cond3A_246 = arith.constant 0 : i32
      %cond3A_247 = arith.cmpi ne, %convert_element_type3A_245, %cond3A_246 : i32
      scf.if %cond3A_247 {
        %mul3A_387 = arith.constant 4 : i32
        %mul3A_388 = arith.muli %add3A_242, %mul3A_387 : i32
        %add3A_389 = arith.addi %mul3A_2, %mul3A_388 : i32
        %mul3A_390 = arith.constant 128 : i32
        %mul3A_391 = arith.muli %add3A_389, %mul3A_390 : i32
        %dma_wait3A_392 = arith.constant 512 : i32
        %dma_wait3A_393 = arith.constant 0 : i32
        %dma_wait3A_394 = tpu.memref_slice %arg6[%dma_wait3A_392, %dma_wait3A_393] : memref<1024x64xf32, #tpu.memory_space<vmem>> -> memref<512x64xf32, #tpu.memory_space<vmem>>
        %dma_wait3A_395 = arith.constant 0 : i32
        %dma_wait3A_396 = tpu.memref_slice %arg4[%mul3A_391, %dma_wait3A_395] : memref<819200x64xf32, #tpu.memory_space<hbm>> -> memref<512x64xf32, #tpu.memory_space<hbm>>
        %dma_wait3A_397 = arith.constant 0 : i32
        %dma_wait3A_398 = tpu.memref_slice %arg4[%mul3A_391, %dma_wait3A_397] : memref<819200x64xf32, #tpu.memory_space<hbm>> -> memref<512x64xf32, #tpu.memory_space<hbm>>
        %dma_wait3A_399 = arith.constant 512 : i32
        %dma_wait3A_400 = arith.constant 0 : i32
        %dma_wait3A_401 = tpu.memref_slice %arg6[%dma_wait3A_399, %dma_wait3A_400] : memref<1024x64xf32, #tpu.memory_space<vmem>> -> memref<512x64xf32, #tpu.memory_space<vmem>>
        tpu.wait_dma2 semaphore(%arg10 : memref<!tpu.dma_semaphore, #tpu.memory_space<semaphore_mem>>) src(%dma_wait3A_401 : memref<512x64xf32, #tpu.memory_space<vmem>>) dst(%dma_wait3A_398 : memref<512x64xf32, #tpu.memory_space<hbm>>)
      } else {
      }
      %mul3A_248 = arith.constant 4 : i32
      %mul3A_249 = arith.muli %add3A_242, %mul3A_248 : i32
      %add3A_250 = arith.addi %mul3A_2, %mul3A_249 : i32
      %dma_wait3A_251 = arith.constant 1 : i32
      %dma_wait3A_252 = arith.constant 0 : i32
      %dma_wait3A_253 = arith.constant 0 : i32
      %dma_wait3A_254 = tpu.memref_slice %arg5[%dma_wait3A_251, %dma_wait3A_252, %dma_wait3A_253] : memref<2x4x128xi32, #tpu.memory_space<vmem>> -> memref<1x4x128xi32, #tpu.memory_space<vmem>>
      %dma_wait3A_255 = tpu.memref_squeeze %dma_wait3A_254 : memref<1x4x128xi32, #tpu.memory_space<vmem>> -> memref<4x128xi32, #tpu.memory_space<vmem>>
      %dma_wait3A_256 = arith.constant 0 : i32
      %dma_wait3A_257 = tpu.memref_slice %arg2[%add3A_250, %dma_wait3A_256] : memref<6400x128xi32, #tpu.memory_space<hbm>> -> memref<4x128xi32, #tpu.memory_space<hbm>>
      %dma_wait3A_258 = arith.constant 0 : i32
      %dma_wait3A_259 = arith.constant 0 : i32
      %dma_wait3A_260 = tpu.memref_slice %arg5[%dma_wait3A_251, %dma_wait3A_258, %dma_wait3A_259] : memref<2x4x128xi32, #tpu.memory_space<vmem>> -> memref<1x4x128xi32, #tpu.memory_space<vmem>>
      %dma_wait3A_261 = tpu.memref_squeeze %dma_wait3A_260 : memref<1x4x128xi32, #tpu.memory_space<vmem>> -> memref<4x128xi32, #tpu.memory_space<vmem>>
      %dma_wait3A_262 = arith.constant 0 : i32
      %dma_wait3A_263 = tpu.memref_slice %arg2[%add3A_250, %dma_wait3A_262] : memref<6400x128xi32, #tpu.memory_space<hbm>> -> memref<4x128xi32, #tpu.memory_space<hbm>>
      tpu.wait_dma2 semaphore(%arg12 : memref<!tpu.dma_semaphore, #tpu.memory_space<semaphore_mem>>) src(%dma_wait3A_263 : memref<4x128xi32, #tpu.memory_space<hbm>>) dst(%dma_wait3A_261 : memref<4x128xi32, #tpu.memory_space<vmem>>)
      %dma_start3A_264 = arith.constant 1 : i32
      %dma_start3A_265 = arith.constant 0 : i32
      %dma_start3A_266 = arith.constant 512 : i32
      %dma_start3A_267 = arith.constant 0 : i32
      %dma_start3A_268 = tpu.memref_slice %arg6[%dma_start3A_266, %dma_start3A_267] : memref<1024x64xf32, #tpu.memory_space<vmem>> -> memref<128x64xf32, #tpu.memory_space<vmem>>
      %dma_start3A_269 = arith.constant 0 : i32
      %dma_start3A_270 = tpu.memref_slice %arg5[%dma_start3A_264, %dma_start3A_265, %dma_start3A_269] : memref<2x4x128xi32, #tpu.memory_space<vmem>> -> memref<1x1x128xi32, #tpu.memory_space<vmem>>
      %dma_start3A_271 = tpu.memref_squeeze %dma_start3A_270 : memref<1x1x128xi32, #tpu.memory_space<vmem>> -> memref<128xi32, #tpu.memory_space<vmem>>
      %dma_start3A_272 = arith.constant 0 : i32
      %dma_start3A_273 = arith.constant 0 : i32
      %dma_start3A_274 = tpu.memref_slice %arg3[%dma_start3A_272, %dma_start3A_273] : memref<1000000x64xf32, #tpu.memory_space<hbm>> -> memref<1000000x64xf32, #tpu.memory_space<hbm>>
      tpu.enqueue_indirect_dma source(%dma_start3A_274 : memref<1000000x64xf32, #tpu.memory_space<hbm>>) target(%dma_start3A_268 : memref<128x64xf32, #tpu.memory_space<vmem>>) offsets(%dma_start3A_271 : memref<128xi32, #tpu.memory_space<vmem>>) semaphore(%arg8 : memref<!tpu.dma_semaphore, #tpu.memory_space<semaphore_mem>>)
      %dma_start3A_275 = arith.constant 1 : i32
      %dma_start3A_276 = arith.constant 1 : i32
      %dma_start3A_277 = arith.constant 640 : i32
      %dma_start3A_278 = arith.constant 0 : i32
      %dma_start3A_279 = tpu.memref_slice %arg6[%dma_start3A_277, %dma_start3A_278] : memref<1024x64xf32, #tpu.memory_space<vmem>> -> memref<128x64xf32, #tpu.memory_space<vmem>>
      %dma_start3A_280 = arith.constant 0 : i32
      %dma_start3A_281 = tpu.memref_slice %arg5[%dma_start3A_275, %dma_start3A_276, %dma_start3A_280] : memref<2x4x128xi32, #tpu.memory_space<vmem>> -> memref<1x1x128xi32, #tpu.memory_space<vmem>>
      %dma_start3A_282 = tpu.memref_squeeze %dma_start3A_281 : memref<1x1x128xi32, #tpu.memory_space<vmem>> -> memref<128xi32, #tpu.memory_space<vmem>>
      %dma_start3A_283 = arith.constant 0 : i32
      %dma_start3A_284 = arith.constant 0 : i32
      %dma_start3A_285 = tpu.memref_slice %arg3[%dma_start3A_283, %dma_start3A_284] : memref<1000000x64xf32, #tpu.memory_space<hbm>> -> memref<1000000x64xf32, #tpu.memory_space<hbm>>
      tpu.enqueue_indirect_dma source(%dma_start3A_285 : memref<1000000x64xf32, #tpu.memory_space<hbm>>) target(%dma_start3A_279 : memref<128x64xf32, #tpu.memory_space<vmem>>) offsets(%dma_start3A_282 : memref<128xi32, #tpu.memory_space<vmem>>) semaphore(%arg8 : memref<!tpu.dma_semaphore, #tpu.memory_space<semaphore_mem>>)
      %dma_start3A_286 = arith.constant 1 : i32
      %dma_start3A_287 = arith.constant 2 : i32
      %dma_start3A_288 = arith.constant 768 : i32
      %dma_start3A_289 = arith.constant 0 : i32
      %dma_start3A_290 = tpu.memref_slice %arg6[%dma_start3A_288, %dma_start3A_289] : memref<1024x64xf32, #tpu.memory_space<vmem>> -> memref<128x64xf32, #tpu.memory_space<vmem>>
      %dma_start3A_291 = arith.constant 0 : i32
      %dma_start3A_292 = tpu.memref_slice %arg5[%dma_start3A_286, %dma_start3A_287, %dma_start3A_291] : memref<2x4x128xi32, #tpu.memory_space<vmem>> -> memref<1x1x128xi32, #tpu.memory_space<vmem>>
      %dma_start3A_293 = tpu.memref_squeeze %dma_start3A_292 : memref<1x1x128xi32, #tpu.memory_space<vmem>> -> memref<128xi32, #tpu.memory_space<vmem>>
      %dma_start3A_294 = arith.constant 0 : i32
      %dma_start3A_295 = arith.constant 0 : i32
      %dma_start3A_296 = tpu.memref_slice %arg3[%dma_start3A_294, %dma_start3A_295] : memref<1000000x64xf32, #tpu.memory_space<hbm>> -> memref<1000000x64xf32, #tpu.memory_space<hbm>>
      tpu.enqueue_indirect_dma source(%dma_start3A_296 : memref<1000000x64xf32, #tpu.memory_space<hbm>>) target(%dma_start3A_290 : memref<128x64xf32, #tpu.memory_space<vmem>>) offsets(%dma_start3A_293 : memref<128xi32, #tpu.memory_space<vmem>>) semaphore(%arg8 : memref<!tpu.dma_semaphore, #tpu.memory_space<semaphore_mem>>)
      %dma_start3A_297 = arith.constant 1 : i32
      %dma_start3A_298 = arith.constant 3 : i32
      %dma_start3A_299 = arith.constant 896 : i32
      %dma_start3A_300 = arith.constant 0 : i32
      %dma_start3A_301 = tpu.memref_slice %arg6[%dma_start3A_299, %dma_start3A_300] : memref<1024x64xf32, #tpu.memory_space<vmem>> -> memref<128x64xf32, #tpu.memory_space<vmem>>
      %dma_start3A_302 = arith.constant 0 : i32
      %dma_start3A_303 = tpu.memref_slice %arg5[%dma_start3A_297, %dma_start3A_298, %dma_start3A_302] : memref<2x4x128xi32, #tpu.memory_space<vmem>> -> memref<1x1x128xi32, #tpu.memory_space<vmem>>
      %dma_start3A_304 = tpu.memref_squeeze %dma_start3A_303 : memref<1x1x128xi32, #tpu.memory_space<vmem>> -> memref<128xi32, #tpu.memory_space<vmem>>
      %dma_start3A_305 = arith.constant 0 : i32
      %dma_start3A_306 = arith.constant 0 : i32
      %dma_start3A_307 = tpu.memref_slice %arg3[%dma_start3A_305, %dma_start3A_306] : memref<1000000x64xf32, #tpu.memory_space<hbm>> -> memref<1000000x64xf32, #tpu.memory_space<hbm>>
      tpu.enqueue_indirect_dma source(%dma_start3A_307 : memref<1000000x64xf32, #tpu.memory_space<hbm>>) target(%dma_start3A_301 : memref<128x64xf32, #tpu.memory_space<vmem>>) offsets(%dma_start3A_304 : memref<128xi32, #tpu.memory_space<vmem>>) semaphore(%arg8 : memref<!tpu.dma_semaphore, #tpu.memory_space<semaphore_mem>>)
      %dma_wait3A_308 = arith.constant 1 : i32
      %dma_wait3A_309 = arith.constant 0 : i32
      %dma_wait3A_310 = arith.constant 512 : i32
      %dma_wait3A_311 = arith.constant 0 : i32
      %dma_wait3A_312 = tpu.memref_slice %arg6[%dma_wait3A_310, %dma_wait3A_311] : memref<1024x64xf32, #tpu.memory_space<vmem>> -> memref<128x64xf32, #tpu.memory_space<vmem>>
      %dma_wait3A_313 = arith.constant 0 : i32
      %dma_wait3A_314 = tpu.memref_slice %arg5[%dma_wait3A_308, %dma_wait3A_309, %dma_wait3A_313] : memref<2x4x128xi32, #tpu.memory_space<vmem>> -> memref<1x1x128xi32, #tpu.memory_space<vmem>>
      %dma_wait3A_315 = tpu.memref_squeeze %dma_wait3A_314 : memref<1x1x128xi32, #tpu.memory_space<vmem>> -> memref<128xi32, #tpu.memory_space<vmem>>
      %dma_wait3A_316 = arith.constant 0 : i32
      %dma_wait3A_317 = arith.constant 0 : i32
      %dma_wait3A_318 = tpu.memref_slice %arg3[%dma_wait3A_316, %dma_wait3A_317] : memref<1000000x64xf32, #tpu.memory_space<hbm>> -> memref<1000000x64xf32, #tpu.memory_space<hbm>>
      tpu.wait_indirect_dma semaphore(%arg8 : memref<!tpu.dma_semaphore, #tpu.memory_space<semaphore_mem>>) src(%dma_wait3A_318 : memref<1000000x64xf32, #tpu.memory_space<hbm>>) dst(%dma_wait3A_312 : memref<128x64xf32, #tpu.memory_space<vmem>>)
      %dma_wait3A_319 = arith.constant 1 : i32
      %dma_wait3A_320 = arith.constant 1 : i32
      %dma_wait3A_321 = arith.constant 640 : i32
      %dma_wait3A_322 = arith.constant 0 : i32
      %dma_wait3A_323 = tpu.memref_slice %arg6[%dma_wait3A_321, %dma_wait3A_322] : memref<1024x64xf32, #tpu.memory_space<vmem>> -> memref<128x64xf32, #tpu.memory_space<vmem>>
      %dma_wait3A_324 = arith.constant 0 : i32
      %dma_wait3A_325 = tpu.memref_slice %arg5[%dma_wait3A_319, %dma_wait3A_320, %dma_wait3A_324] : memref<2x4x128xi32, #tpu.memory_space<vmem>> -> memref<1x1x128xi32, #tpu.memory_space<vmem>>
      %dma_wait3A_326 = tpu.memref_squeeze %dma_wait3A_325 : memref<1x1x128xi32, #tpu.memory_space<vmem>> -> memref<128xi32, #tpu.memory_space<vmem>>
      %dma_wait3A_327 = arith.constant 0 : i32
      %dma_wait3A_328 = arith.constant 0 : i32
      %dma_wait3A_329 = tpu.memref_slice %arg3[%dma_wait3A_327, %dma_wait3A_328] : memref<1000000x64xf32, #tpu.memory_space<hbm>> -> memref<1000000x64xf32, #tpu.memory_space<hbm>>
      tpu.wait_indirect_dma semaphore(%arg8 : memref<!tpu.dma_semaphore, #tpu.memory_space<semaphore_mem>>) src(%dma_wait3A_329 : memref<1000000x64xf32, #tpu.memory_space<hbm>>) dst(%dma_wait3A_323 : memref<128x64xf32, #tpu.memory_space<vmem>>)
      %dma_wait3A_330 = arith.constant 1 : i32
      %dma_wait3A_331 = arith.constant 2 : i32
      %dma_wait3A_332 = arith.constant 768 : i32
      %dma_wait3A_333 = arith.constant 0 : i32
      %dma_wait3A_334 = tpu.memref_slice %arg6[%dma_wait3A_332, %dma_wait3A_333] : memref<1024x64xf32, #tpu.memory_space<vmem>> -> memref<128x64xf32, #tpu.memory_space<vmem>>
      %dma_wait3A_335 = arith.constant 0 : i32
      %dma_wait3A_336 = tpu.memref_slice %arg5[%dma_wait3A_330, %dma_wait3A_331, %dma_wait3A_335] : memref<2x4x128xi32, #tpu.memory_space<vmem>> -> memref<1x1x128xi32, #tpu.memory_space<vmem>>
      %dma_wait3A_337 = tpu.memref_squeeze %dma_wait3A_336 : memref<1x1x128xi32, #tpu.memory_space<vmem>> -> memref<128xi32, #tpu.memory_space<vmem>>
      %dma_wait3A_338 = arith.constant 0 : i32
      %dma_wait3A_339 = arith.constant 0 : i32
      %dma_wait3A_340 = tpu.memref_slice %arg3[%dma_wait3A_338, %dma_wait3A_339] : memref<1000000x64xf32, #tpu.memory_space<hbm>> -> memref<1000000x64xf32, #tpu.memory_space<hbm>>
      tpu.wait_indirect_dma semaphore(%arg8 : memref<!tpu.dma_semaphore, #tpu.memory_space<semaphore_mem>>) src(%dma_wait3A_340 : memref<1000000x64xf32, #tpu.memory_space<hbm>>) dst(%dma_wait3A_334 : memref<128x64xf32, #tpu.memory_space<vmem>>)
      %dma_wait3A_341 = arith.constant 1 : i32
      %dma_wait3A_342 = arith.constant 3 : i32
      %dma_wait3A_343 = arith.constant 896 : i32
      %dma_wait3A_344 = arith.constant 0 : i32
      %dma_wait3A_345 = tpu.memref_slice %arg6[%dma_wait3A_343, %dma_wait3A_344] : memref<1024x64xf32, #tpu.memory_space<vmem>> -> memref<128x64xf32, #tpu.memory_space<vmem>>
      %dma_wait3A_346 = arith.constant 0 : i32
      %dma_wait3A_347 = tpu.memref_slice %arg5[%dma_wait3A_341, %dma_wait3A_342, %dma_wait3A_346] : memref<2x4x128xi32, #tpu.memory_space<vmem>> -> memref<1x1x128xi32, #tpu.memory_space<vmem>>
      %dma_wait3A_348 = tpu.memref_squeeze %dma_wait3A_347 : memref<1x1x128xi32, #tpu.memory_space<vmem>> -> memref<128xi32, #tpu.memory_space<vmem>>
      %dma_wait3A_349 = arith.constant 0 : i32
      %dma_wait3A_350 = arith.constant 0 : i32
      %dma_wait3A_351 = tpu.memref_slice %arg3[%dma_wait3A_349, %dma_wait3A_350] : memref<1000000x64xf32, #tpu.memory_space<hbm>> -> memref<1000000x64xf32, #tpu.memory_space<hbm>>
      tpu.wait_indirect_dma semaphore(%arg8 : memref<!tpu.dma_semaphore, #tpu.memory_space<semaphore_mem>>) src(%dma_wait3A_351 : memref<1000000x64xf32, #tpu.memory_space<hbm>>) dst(%dma_wait3A_345 : memref<128x64xf32, #tpu.memory_space<vmem>>)
      %add3A_352 = arith.constant 2 : i32
      %add3A_353 = arith.addi %add3A_242, %add3A_352 : i32
      %rem3A_354 = arith.constant 50 : i32
      %rem3A_355 = arith.remsi %add3A_353, %rem3A_354 : i32
      %mul3A_356 = arith.constant 4 : i32
      %mul3A_357 = arith.muli %rem3A_355, %mul3A_356 : i32
      %add3A_358 = arith.addi %mul3A_2, %mul3A_357 : i32
      %dma_start3A_359 = arith.constant 1 : i32
      %dma_start3A_360 = arith.constant 0 : i32
      %dma_start3A_361 = arith.constant 0 : i32
      %dma_start3A_362 = tpu.memref_slice %arg5[%dma_start3A_359, %dma_start3A_360, %dma_start3A_361] : memref<2x4x128xi32, #tpu.memory_space<vmem>> -> memref<1x4x128xi32, #tpu.memory_space<vmem>>
      %dma_start3A_363 = tpu.memref_squeeze %dma_start3A_362 : memref<1x4x128xi32, #tpu.memory_space<vmem>> -> memref<4x128xi32, #tpu.memory_space<vmem>>
      %dma_start3A_364 = arith.constant 0 : i32
      %dma_start3A_365 = tpu.memref_slice %arg2[%add3A_358, %dma_start3A_364] : memref<6400x128xi32, #tpu.memory_space<hbm>> -> memref<4x128xi32, #tpu.memory_space<hbm>>
      %dma_start3A_366 = arith.constant 0 : i32
      %dma_start3A_367 = arith.constant 0 : i32
      %dma_start3A_368 = tpu.memref_slice %arg5[%dma_start3A_359, %dma_start3A_366, %dma_start3A_367] : memref<2x4x128xi32, #tpu.memory_space<vmem>> -> memref<1x4x128xi32, #tpu.memory_space<vmem>>
      %dma_start3A_369 = tpu.memref_squeeze %dma_start3A_368 : memref<1x4x128xi32, #tpu.memory_space<vmem>> -> memref<4x128xi32, #tpu.memory_space<vmem>>
      %dma_start3A_370 = arith.constant 0 : i32
      %dma_start3A_371 = tpu.memref_slice %arg2[%add3A_358, %dma_start3A_370] : memref<6400x128xi32, #tpu.memory_space<hbm>> -> memref<4x128xi32, #tpu.memory_space<hbm>>
      tpu.enqueue_dma source(%dma_start3A_371 : memref<4x128xi32, #tpu.memory_space<hbm>>) target(%dma_start3A_369 : memref<4x128xi32, #tpu.memory_space<vmem>>) target_semaphore(%arg12 : memref<!tpu.dma_semaphore, #tpu.memory_space<semaphore_mem>>)
      %mul3A_372 = arith.constant 4 : i32
      %mul3A_373 = arith.muli %add3A_242, %mul3A_372 : i32
      %add3A_374 = arith.addi %mul3A_2, %mul3A_373 : i32
      %mul3A_375 = arith.constant 128 : i32
      %mul3A_376 = arith.muli %add3A_374, %mul3A_375 : i32
      %dma_start3A_377 = arith.constant 512 : i32
      %dma_start3A_378 = arith.constant 0 : i32
      %dma_start3A_379 = tpu.memref_slice %arg6[%dma_start3A_377, %dma_start3A_378] : memref<1024x64xf32, #tpu.memory_space<vmem>> -> memref<512x64xf32, #tpu.memory_space<vmem>>
      %dma_start3A_380 = arith.constant 0 : i32
      %dma_start3A_381 = tpu.memref_slice %arg4[%mul3A_376, %dma_start3A_380] : memref<819200x64xf32, #tpu.memory_space<hbm>> -> memref<512x64xf32, #tpu.memory_space<hbm>>
      %dma_start3A_382 = arith.constant 0 : i32
      %dma_start3A_383 = tpu.memref_slice %arg4[%mul3A_376, %dma_start3A_382] : memref<819200x64xf32, #tpu.memory_space<hbm>> -> memref<512x64xf32, #tpu.memory_space<hbm>>
      %dma_start3A_384 = arith.constant 512 : i32
      %dma_start3A_385 = arith.constant 0 : i32
      %dma_start3A_386 = tpu.memref_slice %arg6[%dma_start3A_384, %dma_start3A_385] : memref<1024x64xf32, #tpu.memory_space<vmem>> -> memref<512x64xf32, #tpu.memory_space<vmem>>
      tpu.enqueue_dma source(%dma_start3A_386 : memref<512x64xf32, #tpu.memory_space<vmem>>) target(%dma_start3A_383 : memref<512x64xf32, #tpu.memory_space<hbm>>) target_semaphore(%arg10 : memref<!tpu.dma_semaphore, #tpu.memory_space<semaphore_mem>>)
    }
    %scan3A_36 = arith.constant 25 : i32
    %add3A_37 = arith.constant 0 : i32
    %add3A_38 = arith.addi %mul3A_2, %add3A_37 : i32
    %mul3A_39 = arith.constant 128 : i32
    %mul3A_40 = arith.muli %add3A_38, %mul3A_39 : i32
    %dma_wait3A = arith.constant 0 : i32
    %dma_wait3A_41 = arith.constant 0 : i32
    %dma_wait3A_42 = tpu.memref_slice %arg6[%dma_wait3A, %dma_wait3A_41] : memref<1024x64xf32, #tpu.memory_space<vmem>> -> memref<512x64xf32, #tpu.memory_space<vmem>>
    %dma_wait3A_43 = arith.constant 0 : i32
    %dma_wait3A_44 = tpu.memref_slice %arg4[%mul3A_40, %dma_wait3A_43] : memref<819200x64xf32, #tpu.memory_space<hbm>> -> memref<512x64xf32, #tpu.memory_space<hbm>>
    %dma_wait3A_45 = arith.constant 0 : i32
    %dma_wait3A_46 = tpu.memref_slice %arg4[%mul3A_40, %dma_wait3A_45] : memref<819200x64xf32, #tpu.memory_space<hbm>> -> memref<512x64xf32, #tpu.memory_space<hbm>>
    %dma_wait3A_47 = arith.constant 0 : i32
    %dma_wait3A_48 = arith.constant 0 : i32
    %dma_wait3A_49 = tpu.memref_slice %arg6[%dma_wait3A_47, %dma_wait3A_48] : memref<1024x64xf32, #tpu.memory_space<vmem>> -> memref<512x64xf32, #tpu.memory_space<vmem>>
    tpu.wait_dma2 semaphore(%arg9 : memref<!tpu.dma_semaphore, #tpu.memory_space<semaphore_mem>>) src(%dma_wait3A_49 : memref<512x64xf32, #tpu.memory_space<vmem>>) dst(%dma_wait3A_46 : memref<512x64xf32, #tpu.memory_space<hbm>>)
    %add3A_50 = arith.constant 0 : i32
    %add3A_51 = arith.addi %mul3A_2, %add3A_50 : i32
    %dma_wait3A_52 = arith.constant 0 : i32
    %dma_wait3A_53 = arith.constant 0 : i32
    %dma_wait3A_54 = arith.constant 0 : i32
    %dma_wait3A_55 = tpu.memref_slice %arg5[%dma_wait3A_52, %dma_wait3A_53, %dma_wait3A_54] : memref<2x4x128xi32, #tpu.memory_space<vmem>> -> memref<1x4x128xi32, #tpu.memory_space<vmem>>
    %dma_wait3A_56 = tpu.memref_squeeze %dma_wait3A_55 : memref<1x4x128xi32, #tpu.memory_space<vmem>> -> memref<4x128xi32, #tpu.memory_space<vmem>>
    %dma_wait3A_57 = arith.constant 0 : i32
    %dma_wait3A_58 = tpu.memref_slice %arg2[%add3A_51, %dma_wait3A_57] : memref<6400x128xi32, #tpu.memory_space<hbm>> -> memref<4x128xi32, #tpu.memory_space<hbm>>
    %dma_wait3A_59 = arith.constant 0 : i32
    %dma_wait3A_60 = arith.constant 0 : i32
    %dma_wait3A_61 = tpu.memref_slice %arg5[%dma_wait3A_52, %dma_wait3A_59, %dma_wait3A_60] : memref<2x4x128xi32, #tpu.memory_space<vmem>> -> memref<1x4x128xi32, #tpu.memory_space<vmem>>
    %dma_wait3A_62 = tpu.memref_squeeze %dma_wait3A_61 : memref<1x4x128xi32, #tpu.memory_space<vmem>> -> memref<4x128xi32, #tpu.memory_space<vmem>>
    %dma_wait3A_63 = arith.constant 0 : i32
    %dma_wait3A_64 = tpu.memref_slice %arg2[%add3A_51, %dma_wait3A_63] : memref<6400x128xi32, #tpu.memory_space<hbm>> -> memref<4x128xi32, #tpu.memory_space<hbm>>
    tpu.wait_dma2 semaphore(%arg11 : memref<!tpu.dma_semaphore, #tpu.memory_space<semaphore_mem>>) src(%dma_wait3A_64 : memref<4x128xi32, #tpu.memory_space<hbm>>) dst(%dma_wait3A_62 : memref<4x128xi32, #tpu.memory_space<vmem>>)
    %add3A_65 = arith.constant 0 : i32
    %add3A_66 = arith.addi %mul3A_2, %add3A_65 : i32
    %mul3A_67 = arith.constant 128 : i32
    %mul3A_68 = arith.muli %add3A_66, %mul3A_67 : i32
    %dma_wait3A_69 = arith.constant 512 : i32
    %dma_wait3A_70 = arith.constant 0 : i32
    %dma_wait3A_71 = tpu.memref_slice %arg6[%dma_wait3A_69, %dma_wait3A_70] : memref<1024x64xf32, #tpu.memory_space<vmem>> -> memref<512x64xf32, #tpu.memory_space<vmem>>
    %dma_wait3A_72 = arith.constant 0 : i32
    %dma_wait3A_73 = tpu.memref_slice %arg4[%mul3A_68, %dma_wait3A_72] : memref<819200x64xf32, #tpu.memory_space<hbm>> -> memref<512x64xf32, #tpu.memory_space<hbm>>
    %dma_wait3A_74 = arith.constant 0 : i32
    %dma_wait3A_75 = tpu.memref_slice %arg4[%mul3A_68, %dma_wait3A_74] : memref<819200x64xf32, #tpu.memory_space<hbm>> -> memref<512x64xf32, #tpu.memory_space<hbm>>
    %dma_wait3A_76 = arith.constant 512 : i32
    %dma_wait3A_77 = arith.constant 0 : i32
    %dma_wait3A_78 = tpu.memref_slice %arg6[%dma_wait3A_76, %dma_wait3A_77] : memref<1024x64xf32, #tpu.memory_space<vmem>> -> memref<512x64xf32, #tpu.memory_space<vmem>>
    tpu.wait_dma2 semaphore(%arg10 : memref<!tpu.dma_semaphore, #tpu.memory_space<semaphore_mem>>) src(%dma_wait3A_78 : memref<512x64xf32, #tpu.memory_space<vmem>>) dst(%dma_wait3A_75 : memref<512x64xf32, #tpu.memory_space<hbm>>)
    %add3A_79 = arith.constant 0 : i32
    %add3A_80 = arith.addi %mul3A_2, %add3A_79 : i32
    %dma_wait3A_81 = arith.constant 1 : i32
    %dma_wait3A_82 = arith.constant 0 : i32
    %dma_wait3A_83 = arith.constant 0 : i32
    %dma_wait3A_84 = tpu.memref_slice %arg5[%dma_wait3A_81, %dma_wait3A_82, %dma_wait3A_83] : memref<2x4x128xi32, #tpu.memory_space<vmem>> -> memref<1x4x128xi32, #tpu.memory_space<vmem>>
    %dma_wait3A_85 = tpu.memref_squeeze %dma_wait3A_84 : memref<1x4x128xi32, #tpu.memory_space<vmem>> -> memref<4x128xi32, #tpu.memory_space<vmem>>
    %dma_wait3A_86 = arith.constant 0 : i32
    %dma_wait3A_87 = tpu.memref_slice %arg2[%add3A_80, %dma_wait3A_86] : memref<6400x128xi32, #tpu.memory_space<hbm>> -> memref<4x128xi32, #tpu.memory_space<hbm>>
    %dma_wait3A_88 = arith.constant 0 : i32
    %dma_wait3A_89 = arith.constant 0 : i32
    %dma_wait3A_90 = tpu.memref_slice %arg5[%dma_wait3A_81, %dma_wait3A_88, %dma_wait3A_89] : memref<2x4x128xi32, #tpu.memory_space<vmem>> -> memref<1x4x128xi32, #tpu.memory_space<vmem>>
    %dma_wait3A_91 = tpu.memref_squeeze %dma_wait3A_90 : memref<1x4x128xi32, #tpu.memory_space<vmem>> -> memref<4x128xi32, #tpu.memory_space<vmem>>
    %dma_wait3A_92 = arith.constant 0 : i32
    %dma_wait3A_93 = tpu.memref_slice %arg2[%add3A_80, %dma_wait3A_92] : memref<6400x128xi32, #tpu.memory_space<hbm>> -> memref<4x128xi32, #tpu.memory_space<hbm>>
    tpu.wait_dma2 semaphore(%arg12 : memref<!tpu.dma_semaphore, #tpu.memory_space<semaphore_mem>>) src(%dma_wait3A_93 : memref<4x128xi32, #tpu.memory_space<hbm>>) dst(%dma_wait3A_91 : memref<4x128xi32, #tpu.memory_space<vmem>>)
    return
  }
}

</mosaic_0001>

<sc_bundles>
// kernel: _sc_gather.3.cloned.1.call-start
scs
__scs_entry_jumppad:
0x0: {  	(pc) =	sbr.rel $0x88, $3  }
0x1: {  	(tag) =	ssettag $0x0;
	lr =	simm.s32 $0x1  }
0x2: {  	[smem:$0x3F9F] =	sst lr;
	_ =	strace $0xD0000000  }
0x3: {  	_ = 	snop  }
0x4: {  	_ = 	snop  }
0x5: {  	_ = 	snop  }
0x6: {  	_ = 	snop  }
0x7: {  	_ = 	snop  }
__scs_overlays_trampoline_lowered:
0x8: {  	[smem:$0x3FAE] =	sst s0  }
0x9: {  	[smem:$0x3FAF] =	sst s1  }
0xa: {  	[smem:$0x3FB0] =	sst s2  }
0xb: {  	[smem:$0x3FB1] =	sst s3  }
0xc: {  	[smem:$0x3FB2] =	sst s4  }
0xd: {  	[smem:$0x3FB3] =	sst s5  }
0xe: {  	[smem:$0x3FB4] =	sst s6  }
0xf: {  	[smem:$0x3FB5] =	sst s7  }
0x10: {  	[smem:$0x3FB6] =	sst s8  }
0x11: {  	[smem:$0x3FB7] =	sst s9;
	s0 =	simm.s32 @!p0 $0x0  }
0x12: {  	s1 =	sld [smem:$0x3F9D];
	s0 =	simm.s32 @p0 $0x1  }
0x13: {  	[smem:$0x3FB8] =	sst s0;
	s0 =	simm.s32 @!p1 $0x0  }
0x14: {  	s2 =	sld [smem:$0x3F9C];
	s0 =	simm.s32 @p1 $0x1  }
0x15: {  	[smem:$0x3FB9] =	sst s0;
	s0 =	simm.s32 @!p2 $0x0  }
0x16: {  	s3 =	sld [smem:$0x3FDB];
	s0 =	simm.s32 @p2 $0x1  }
0x17: {  	s4 =	simm.s32 $0x1BF5;
	[smem:$0x3FBB] =	sst s0  }
0x18: {  	s0 =	sld [smem:$0x3F9E];
	_ =	swait.ge [sflag:s4], $0x0  }
0x19: {  	s7 =	sld [smem:$0x3F9F]  }
0x1a: {  	s8 =	sadd.s32 $0xFFFFE003, lr  }
0x1b: {  	s9 =	sadd.s32 $0xFFFFFEF7, lr;
	s5 =	simm.s32 $0xFFFFFFFF;
	p2 =	slt.u32 s8, $0xFFFFF086  }
0x1c: {  	p1 =	slt.u32 s9, $0xF7A;
	s5 =	simm.s32 @!p2 $0x0  }
0x1d: {  	s5 =	simm.s32 @p1 $0x1;
	p0 =	seq.s32 s7, s2  }
0x1e: {  	s7 =	smul.u32 @!p0 $0xF7A, s2;
	p2 =	seq.s32 @!p0 s5, $0x0  }
0x1f: {  	s9 =	smul.u32 $0xF7A, s1;
	s8 =	simm.s32 @!p0 $0x1BF5;
	p2 =	por !p2, p0  }
0x20: {  	[sflag:s8] =	ssyncset.s32 @!p0 $0xFFFFF086;
	s6 =	sadd.s32 @!p0 s3, s7;
	s7 =	simm.s32 @!p0 $0x108  }
0x21: {  	s3 =	sadd.s32 s3, s9;
	s6 =	sadd.s32 @!p0 $0x88, s6;
	s7 =	simm.s32 @p2 $0x1082  }
0x22: {  	[simem:s7], [sflag:s8] =	dma.local @!p0 [hbm:s6], $0xF7A  }
0x23: {  	s9 =	sor.u32 $0xD0000000, s2;
	s6 =	simm.s32 $0x108;
	_ =	swait.ge @!p0 [sflag:s8], $0x0  }
0x24: {  	s3 =	sadd.s32 $0x88, s3;
	s6 =	simm.s32 @!p1 $0x1082;
	[sflag:s4] =	ssyncset.s32 $0xFFFFF086  }
0x25: {  	[simem:s6], [sflag:s4] =	dma.local [hbm:s3], $0xF7A  }
0x26: {  	[smem:$0x3F9F] =	sst s1;
	(tag) =	ssettag s2;
	_ =	strace s9  }
0x27: {  	s1 =	sld [smem:$0x3FAF]  }
0x28: {  	s2 =	sld [smem:$0x3FB0]  }
0x29: {  	s4 =	sld [smem:$0x3FB2]  }
0x2a: {  	p0 =	seq.s32 s5, $0x0;
	s5 =	sld [smem:$0x3FB3]  }
0x2b: {  	s6 =	sld [smem:$0x3FB4]  }
0x2c: {  	s7 =	sld [smem:$0x3FB5]  }
0x2d: {  	s3 =	simm.s32 $0x108;
	s8 =	sld [smem:$0x3FB6]  }
0x2e: {  	s3 =	simm.s32 @!p0 $0x1082;
	s9 =	sld [smem:$0x3FB7]  }
0x2f: {  	lr =	sadd.s32 s0, s3;
	s0 =	sld [smem:$0x3FAE]  }
0x30: {  	s3 =	sld [smem:$0x3FB1]  }
0x31: {  	[smem:$0x3FBA] =	sst s10  }
0x32: {  	s10 =	sld [smem:$0x3FB8];
	_ =	sdelay $0x3  }
0x33: {  	p0 =	seq.s32 s10, $0x1;
	s10 =	sld [smem:$0x3FBA];
	_ =	sdelay $0x3  }
0x34: {  	[smem:$0x3FBA] =	sst s10  }
0x35: {  	s10 =	sld [smem:$0x3FB9];
	_ =	sdelay $0x3  }
0x36: {  	p1 =	seq.s32 s10, $0x1;
	s10 =	sld [smem:$0x3FBA];
	_ =	sdelay $0x3  }
0x37: {  	[smem:$0x3FBA] =	sst s10  }
0x38: {  	s10 =	sld [smem:$0x3FBB]  }
0x39: {  	_ = 	snop;
	(pc) =	sbr.ind lr, $3  }
0x3a: {  	_ = 	snop  }
0x3b: {  	_ = 	snop  }
0x3c: {  	p2 =	seq.s32 s10, $0x1;
	s10 =	sld [smem:$0x3FBA]  }
0x3d: {  	_ =	shalt  }
0x3e: {  	_ =	shalt  }
0x3f: {  	_ =	shalt  }
0x40: {  	_ =	shalt  }
0x41: {  	_ =	shalt  }
0x42: {  	_ =	shalt  }
0x43: {  	_ =	shalt  }
0x44: {  	_ =	shalt  }
0x45: {  	_ =	shalt  }
0x46: {  	_ =	shalt  }
0x47: {  	_ =	shalt  }
0x48: {  	_ =	shalt  }
0x49: {  	_ =	shalt  }
0x4a: {  	_ =	shalt  }
0x4b: {  	_ =	shalt  }
0x4c: {  	_ =	shalt  }
0x4d: {  	_ =	shalt  }
0x4e: {  	_ =	shalt  }
0x4f: {  	_ =	shalt  }
0x50: {  	_ =	shalt  }
0x51: {  	_ =	shalt  }
0x52: {  	_ =	shalt  }
0x53: {  	_ =	shalt  }
0x54: {  	_ =	shalt  }
0x55: {  	_ =	shalt  }
0x56: {  	_ =	shalt  }
0x57: {  	_ =	shalt  }
0x58: {  	_ =	shalt  }
0x59: {  	_ =	shalt  }
0x5a: {  	_ =	shalt  }
0x5b: {  	_ =	shalt  }
0x5c: {  	_ =	shalt  }
0x5d: {  	_ =	shalt  }
0x5e: {  	_ =	shalt  }
0x5f: {  	_ =	shalt  }
0x60: {  	_ =	shalt  }
0x61: {  	_ =	shalt  }
0x62: {  	_ =	shalt  }
0x63: {  	_ =	shalt  }
0x64: {  	_ =	shalt  }
0x65: {  	_ =	shalt  }
0x66: {  	_ =	shalt  }
0x67: {  	_ =	shalt  }
0x68: {  	_ =	shalt  }
0x69: {  	_ =	shalt  }
0x6a: {  	_ =	shalt  }
0x6b: {  	_ =	shalt  }
0x6c: {  	_ =	shalt  }
0x6d: {  	_ =	shalt  }
0x6e: {  	_ =	shalt  }
0x6f: {  	_ =	shalt  }
0x70: {  	_ =	shalt  }
0x71: {  	_ =	shalt  }
0x72: {  	_ =	shalt  }
0x73: {  	_ =	shalt  }
0x74: {  	_ =	shalt  }
0x75: {  	_ =	shalt  }
0x76: {  	_ =	shalt  }
0x77: {  	_ =	shalt  }
0x78: {  	_ =	shalt  }
0x79: {  	_ =	shalt  }
0x7a: {  	_ =	shalt  }
0x7b: {  	_ =	shalt  }
0x7c: {  	_ =	shalt  }
0x7d: {  	_ =	shalt  }
0x7e: {  	_ =	shalt  }
0x7f: {  	_ =	shalt  }
0x80: {  	_ =	shalt  }
0x81: {  	_ =	shalt  }
0x82: {  	_ =	shalt  }
0x83: {  	_ =	shalt  }
0x84: {  	_ =	shalt  }
0x85: {  	_ =	shalt  }
0x86: {  	_ =	shalt  }
0x87: {  	_ =	shalt  }
.Lfunc_end0:
.L_simem_size_0:
called_computation.1_lowered:
.L_overlay_start_0:
0x88: {  	s2 =	sld [smem:$0x3FD9]  }
0x89: {  	s3 =	sld [smem:$0x3FFE];
	_ =	sdelay $0x1  }
0x8a: {  	s1 =	srdreg.scid  }
0x8b: {  	s0 =	sand.u32 $0x1, s1  }
0x8c: {  	s17 =	sshll.u32 s0, $0xA;
	s2 =	sadd.s32 s3, s2  }
0x8d: {  	s2 =	sadd.s32 s2, s17  }
0x8e: {  	[smem:$0x3FC6] =	sst s2  }
0x8f: {  	_ = 	snop  }
0x90: {  	s2 =	sld [smem:$0x3FC9]  }
0x91: {  	s18 =	sld [smem:$0x3FD0];
	(tm) =	ssettm $0x1  }
0x92: {  	s4 =	sld [smem:$0x3FFB];
	_ =	sdelay $0x3  }
0x93: {  	_ =	strace s4  }
0x94: {  	s4 =	sld [smem:$0x3FFC];
	_ =	sdelay $0x3  }
0x95: {  	_ =	strace s4  }
0x96: {  	s4 =	sld [smem:$0x3FFD];
	_ =	sdelay $0x3  }
0x97: {  	_ =	strace s4  }
0x98: {  	_ =	strace $0x8FFFFFFF  }
0x99: {  	s19 =	sld [smem:$0x3FDB];
	_ =	sdelay $0x1  }
0x9a: {  	s5 =	simm.s32 $_scs_section_size  }
0x9b: {  	s6 =	simm.s32 $_size__tile_overlayer_lowered;
	s7 =	simm.s32 $_tile_overlayer_lowered  }
0x9c: {  	s22 =	simm.s32 $0x1BFF;
	s21 =	sshll.u32 s7, $0x1;
	s4 =	sadd.s32 s5, s19  }
0x9d: {  	s8 =	simm.s32 $0x0;
	s20 =	sshll.u32 s6, $0x1;
	s6 =	sadd.s32 s21, s4  }
0x9e: {  	[timem:s8], [sflag:s22] =	dma.local [hbm:s6], s20  }
0x9f: {  	_ =	swait.ge [sflag:s22], s20  }
0xa0: {  	s5 =	ssub.s32 $0x0, s20;
	[sflag:s22] =	ssyncset.done $0x0  }
0xa1: {  	[sflag:s22] =	ssyncadd.s32 s5;
	_ =	sdelay $0x1  }
0xa2: {  	s23 =	simm.s32 $0x1B8B  }
0xa3: {  	_ =	swait.ge [sflag:s23], $0x1  }
0xa4: {  	[sflag:s23] =	ssyncset.done $0x0  }
0xa5: {  	s25 =	simm.s32 $0x1B8E;
	s24 =	sld [smem:$0x3FFE];
	[sflag:s23] =	ssyncadd.s32 $0xFFFFFFFF  }
0xa6: {  	s26 =	simm.s32 $execute0_lowered;
	[smem:$0x3FD2] =	sst s25  }
0xa7: {  	s6 =	sshll.u32 s26, $0x1;
	_ =	strace $0x80000046;
	[dreg:$0x1] =	wrdreg $0xFFFFFFFF  }
0xa8: {  	s28 =	simm.s32 $_size_execute0_lowered;
	s4 =	sadd.s32 s4, s6;
	[dreg:$0x0] =	wrdreg $0x0  }
0xa9: {  	s6 =	sshll.u32 s28, $0x1;
	[dreg:$0x2] =	wrdreg s4  }
0xaa: {  	[dreg:$0x3] =	wrdreg s6  }
0xab: {  	[dreg:$0x4] =	wrdreg $0xC0  }
0xac: {  	_ =	task [dreg:s8], $0x5FFFF  }
0xad: {  	[dreg:$0x1] =	wrdreg $0xFFFFFFFF  }
0xae: {  	[dreg:$0x0] =	wrdreg $0x60  }
0xaf: {  	[dreg:$0x2] =	wrdreg s2  }
0xb0: {  	[dreg:$0x3] =	wrdreg s24  }
0xb1: {  	[dreg:$0x4] =	wrdreg s18  }
0xb2: {  	[dreg:$0x5] =	wrdreg $0x9  }
0xb3: {  	_ =	task.clear_ibuf [dreg:s8], $0x6FFFF;
	_ =	strace $0x90000046  }
0xb4: {  	s29 =	simm.s32 $0x9;
	_ =	strace $0x80000048  }
0xb5: {  	_ =	swait.ge [sflag:s29], $0x1  }
0xb6: {  	[sflag:s29] =	ssyncadd.s32 $0xFFFFFFFF  }
0xb7: {  	_ =	strace $0x90000048  }
0xb8: {  	_ =	sfence  }
0xb9: {  	s30 =	sld [smem:$0x0];
	_ =	sdelay $0x2  }
0xba: {  	s31 =	sshll.u32 s1, $0xD;
	s1 =	sshrl.u32 s1, $0x2  }
0xbb: {  	s3 =	sand.u32 $0x4000, s31;
	s1 =	sadd.s32 s1, s30  }
0xbc: {  	s0 =	sor.u32 s3, s0;
	s1 =	sshll.u32 s1, $0x11  }
0xbd: {  	s0 =	sor.u32 s1, s0  }
0xbe: {  	s0 =	sadd.s32 $0x8F2B, s0  }
0xbf: {  	[sflag:s0] =	ssyncadd.remote.s32 $0x1  }
0xc0: {  	_ =	sfence.sel $0xFFFF  }
0xc1: {  	[dreg:$0x0] =	wrdreg $0xFFFFFFFF;
	(pc) =	sbr.abs _section_cstart, $3  }
0xc2: {  	[dreg:$0x1] =	wrdreg $0xFFFFFFFF  }
0xc3: {  	_ =	task.clear_ibuf [dreg:s8], $0x2FFFF;
	_ =	strace $0x9FFFFFFF  }
0xc4: {  	(tm) =	ssettm $0x7FFFFFFF  }
0xc5: {  	_ =	shalt  }
tec
execute0_lowered:
.L_overlay_start_1:
0x0: {  	(tag) =	ssettag $0x1  }
0x1: {  	s1 =	rddreg [dreg:$0x0]  }
0x2: {  	s2 =	rddreg [dreg:$0x1];
	s3 =	srdreg.scid  }
0x3: {  	s0 =	stileid.u32;
	s10 =	rddreg [dreg:$0x2]  }
0x4: {  	s24 =	simm.s32 $0x2400;
	s25 =	simm.s32 $0x100;
	s26 =	simm.s32 $0x4400  }
0x5: {  	s28 =	simm.s32 $0x180;
	s29 =	simm.s32 $0x6400;
	s14 =	simm.s32 $0x400  }
0x6: {  	s15 =	simm.s32 $0x1;
	s16 =	simm.s32 $0x6;
	s30 =	simm.s32 $0x280  }
0x7: {  	s17 =	simm.s32 $0x8400;
	s7 =	sand.u32 $0x1, s3;
	s3 =	simm.s32 $0x0  }
0x8: {  	s31 =	simm.s32 $0xA400;
	s18 =	simm.s32 $0x300;
	[smem:$0x7FF] =	sst s3  }
0x9: {  	s9 =	smul.u32 $0x64000, s0;
	_ =	strace $0x80000047;
	[dreg:$0x4] =	wrdreg s24  }
0xa: {  	s4 =	sshll.u32 s0, $0x1;
	s12 =	smul.u32 $0x320000, s0;
	[dreg:$0x5] =	wrdreg s25  }
0xb: {  	s8 =	sor.u32 s7, s4;
	s11 =	smul.u32 $0x32000, s7;
	[dreg:$0x6] =	wrdreg s26  }
0xc: {  	s6 =	ssub.s32 $0x2, s7;
	s13 =	smul.u32 $0x190000, s7;
	[dreg:$0x7] =	wrdreg s28  }
0xd: {  	s4 =	sadd.s32 $0xF42C00, s2;
	s5 =	smul.u32 $0xC80, s8;
	[dreg:$0x8] =	wrdreg s29  }
0xe: {  	s19 =	sshrl.u32 s6, $0x1;
	s9 =	sadd.s32 s9, s10;
	[dreg:$0x9] =	wrdreg s30  }
0xf: {  	s7 =	smul.u32 $0x6400, s8;
	[dreg:$0xa] =	wrdreg s31;
	s24 =	simm.s32 $0x4  }
0x10: {  	s25 =	simm.s32 $0x0;
	s2 =	ssub.s32 s6, s19;
	s22 =	sadd.s32 s11, s9  }
0x11: {  	s23 =	sadd.s32 s13, s12;
	s11 =	simm.s32 $0x200;
	s12 =	simm.s32 $0x5  }
0x12: {  	s13 =	simm.s32 $0x80;
	s19 =	simm.s32 $0xC400;
	s5 =	sadd.s32 s1, s5  }
0x13: {  	s21 =	smax.u32 s2, $0x1;
	s9 =	sadd.s32 $0x1000, s22;
	s2 =	sshrl.u32 s23, $0x3  }
0x14: {  	s22 =	simm.s32 $0x2;
	s23 =	simm.s32 $0x3;
	[dreg:$0xb] =	wrdreg s5  }
0x15: {  	s20 =	sadd.s32 $0x40, s5;
	[dreg:$0xd] =	wrdreg s21;
	s10 =	sadd.s32 s2, s10  }
0x16: {  	s21 =	simm.s32 $0xE400;
	[dreg:$0xc] =	wrdreg s20;
	s20 =	simm.s32 $0x380  }
.LBB2_1:
0x17: {  	s0 =	rddreg [dreg:$0xb];
	p0 =	por $0x1, $0x1  }
0x18: {  	[tilespmem:s3], [sflag:$0x5] =	stream.linear.gather [hbm4b:s0+s3], $0x200, $0x38;
	[tilespmem:$0x10400] =	vst v63  }
0x19: {  	p0 =	por p0, p0  }
0x1a: {  	s26 =	rddreg [dreg:$0xc];
	s2 =	simm.s32 @!p0 $0x3  }
0x1b: {  	[tilespmem:s11], [sflag:$0x6] =	stream.linear.gather [hbm4b:s26+s3], $0x200, $0x38;
	[tilespmem:$0x10400] =	vst v63  }
0x1c: {  	_ =	swait.ge @!p0 [sflag:s2], $0x8000  }
0x1d: {  	[sflag:s2] =	ssyncset.done @!p0 $0x0  }
0x1e: {  	[sflag:s2] =	ssyncadd.s32 @!p0 $0xFFFF8000  }
0x1f: {  	_ =	swait.ge [sflag:s12], $0x200  }
0x20: {  	s0 =	rddreg [dreg:$0x5];
	[sflag:s12] =	ssyncset.done $0x0  }
0x21: {  	s26 =	rddreg [dreg:$0x4];
	[sflag:s12] =	ssyncadd.s32 $0xFFFFFE00  }
0x22: {  	[tilespmem:s14], [sflag:$0x1] =	stream.indirect.gather [hbm4b:s4+s13], $0x40, s3, s13, $0xb8;
	[tilespmem:$0x10400] =	vst v63  }
0x23: {  	s28 =	rddreg [dreg:$0x6]  }
0x24: {  	[tilespmem:s26], [sflag:$0x1] =	stream.indirect.gather [hbm4b:s4+s13], $0x40, s13, s13, $0xb8;
	[tilespmem:$0x10400] =	vst v63  }
0x25: {  	s29 =	rddreg [dreg:$0x8]  }
0x26: {  	[tilespmem:s28], [sflag:$0x1] =	stream.indirect.gather [hbm4b:s4+s13], $0x40, s0, s13, $0xb8;
	[tilespmem:$0x10400] =	vst v63  }
0x27: {  	s5 =	rddreg [dreg:$0x7]  }
0x28: {  	[tilespmem:s29], [sflag:$0x1] =	stream.indirect.gather [hbm4b:s4+s13], $0x40, s5, s13, $0xb8;
	[tilespmem:$0x10400] =	vst v63  }
0x29: {  	_ =	swait.ge [sflag:s15], $0x2000  }
0x2a: {  	[sflag:s15] =	ssyncset.done $0x0  }
0x2b: {  	[sflag:s15] =	ssyncadd.s32 $0xFFFFE000  }
0x2c: {  	_ =	swait.ge [sflag:s15], $0x2000  }
0x2d: {  	[sflag:s15] =	ssyncset.done $0x0  }
0x2e: {  	[sflag:s15] =	ssyncadd.s32 $0xFFFFE000  }
0x2f: {  	_ =	swait.ge [sflag:s15], $0x2000  }
0x30: {  	p1 =	por $0x0, $0x0;
	s2 =	simm.s32 $0x400;
	[sflag:s15] =	ssyncset.done $0x0  }
0x31: {  	s2 =	simm.s32 @p1 $0x0;
	[sflag:s15] =	ssyncadd.s32 $0xFFFFE000  }
0x32: {  	s2 =	sadd.s32 s7, s2;
	_ =	swait.ge [sflag:s15], $0x2000  }
0x33: {  	s2 =	sshrl.u32 s2, $0x3;
	[sflag:s15] =	ssyncset.done $0x0  }
0x34: {  	s2 =	sadd.s32 s1, s2;
	[sflag:s15] =	ssyncadd.s32 $0xFFFFE000  }
0x35: {  	[tilespmem:s3], [sflag:$0x5] =	stream.linear.gather [hbm4b:s2+s3], $0x200, $0x38;
	[tilespmem:$0x10400] =	vst v63  }
0x36: {  	s2 =	simm.s32 @!p0 $0x4  }
0x37: {  	[hbm4b:s10+s3] =	stream.linear.scatter [tilespmem:s14], [sflag:$0x3], $0x8000, $0x38;
	[tilespmem:$0x10400] =	vst v63  }
0x38: {  	_ =	swait.ge @!p0 [sflag:s2], $0x8000  }
0x39: {  	[sflag:s2] =	ssyncset.done @!p0 $0x0  }
0x3a: {  	[sflag:s2] =	ssyncadd.s32 @!p0 $0xFFFF8000  }
0x3b: {  	_ =	swait.ge [sflag:s16], $0x200  }
0x3c: {  	[sflag:s16] =	ssyncset.done $0x0  }
0x3d: {  	s6 =	rddreg [dreg:$0xa];
	[sflag:s16] =	ssyncadd.s32 $0xFFFFFE00  }
0x3e: {  	[tilespmem:s17], [sflag:$0x2] =	stream.indirect.gather [hbm4b:s4+s13], $0x40, s11, s13, $0xb8;
	[tilespmem:$0x10400] =	vst v63  }
0x3f: {  	s8 =	rddreg [dreg:$0x9]  }
0x40: {  	[tilespmem:s6], [sflag:$0x2] =	stream.indirect.gather [hbm4b:s4+s13], $0x40, s8, s13, $0xb8;
	[tilespmem:$0x10400] =	vst v63  }
0x41: {  	_ = 	snop  }
0x42: {  	[tilespmem:s19], [sflag:$0x2] =	stream.indirect.gather [hbm4b:s4+s13], $0x40, s18, s13, $0xb8;
	[tilespmem:$0x10400] =	vst v63  }
0x43: {  	_ = 	snop  }
0x44: {  	[tilespmem:s21], [sflag:$0x2] =	stream.indirect.gather [hbm4b:s4+s13], $0x40, s20, s13, $0xb8;
	[tilespmem:$0x10400] =	vst v63  }
0x45: {  	_ =	swait.ge [sflag:s22], $0x2000  }
0x46: {  	[sflag:s22] =	ssyncset.done $0x0  }
0x47: {  	[sflag:s22] =	ssyncadd.s32 $0xFFFFE000  }
0x48: {  	_ =	swait.ge [sflag:s22], $0x2000  }
0x49: {  	[sflag:s22] =	ssyncset.done $0x0  }
0x4a: {  	[sflag:s22] =	ssyncadd.s32 $0xFFFFE000  }
0x4b: {  	p6 =	por $0x0, $0x0;
	s30 =	simm.s32 $0xE00;
	_ =	swait.ge [sflag:s22], $0x2000  }
0x4c: {  	s31 =	smov.u32 s9;
	s2 =	simm.s32 $0x600;
	[sflag:s22] =	ssyncset.done $0x0  }
0x4d: {  	s26 =	sadd.s32 $0x2000, s9;
	s2 =	simm.s32 @p1 $0x200;
	[sflag:s22] =	ssyncadd.s32 $0xFFFFE000  }
0x4e: {  	s28 =	simm.s32 $0xA00;
	s2 =	sadd.s32 s7, s2;
	_ =	swait.ge [sflag:s22], $0x2000  }
0x4f: {  	s29 =	sadd.s32 $0x2000, s10;
	s2 =	sshrl.u32 s2, $0x3;
	[sflag:s22] =	ssyncset.done $0x0  }
0x50: {  	p0 =	por p6, p6;
	s2 =	sadd.s32 s1, s2;
	[sflag:s22] =	ssyncadd.s32 $0xFFFFE000  }
0x51: {  	[tilespmem:s11], [sflag:$0x6] =	stream.linear.gather [hbm4b:s2+s3], $0x200, $0x38;
	[tilespmem:$0x10400] =	vst v63  }
.LBB2_2:
0x52: {  	s0 =	simm.s32 @!p0 $0x3  }
0x53: {  	[hbm4b:s31+s3] =	stream.linear.scatter [tilespmem:s17], [sflag:$0x4], $0x8000, $0x38;
	[tilespmem:$0x10400] =	vst v63  }
0x54: {  	_ =	swait.ge @!p0 [sflag:s0], $0x8000  }
0x55: {  	[sflag:s0] =	ssyncset.done @!p0 $0x0  }
0x56: {  	[sflag:s0] =	ssyncadd.s32 @!p0 $0xFFFF8000  }
0x57: {  	_ =	swait.ge [sflag:s12], $0x200  }
0x58: {  	[sflag:s12] =	ssyncset.done $0x0;
	s0 =	rddreg [dreg:$0x5]  }
0x59: {  	s6 =	rddreg [dreg:$0x4];
	[sflag:s12] =	ssyncadd.s32 $0xFFFFFE00  }
0x5a: {  	[tilespmem:s14], [sflag:$0x1] =	stream.indirect.gather [hbm4b:s4+s13], $0x40, s3, s13, $0xb8;
	[tilespmem:$0x10400] =	vst v63  }
0x5b: {  	s8 =	rddreg [dreg:$0x6]  }
0x5c: {  	[tilespmem:s6], [sflag:$0x1] =	stream.indirect.gather [hbm4b:s4+s13], $0x40, s13, s13, $0xb8;
	[tilespmem:$0x10400] =	vst v63  }
0x5d: {  	s5 =	rddreg [dreg:$0x8]  }
0x5e: {  	[tilespmem:s8], [sflag:$0x1] =	stream.indirect.gather [hbm4b:s4+s13], $0x40, s0, s13, $0xb8;
	[tilespmem:$0x10400] =	vst v63  }
0x5f: {  	s6 =	rddreg [dreg:$0x7]  }
0x60: {  	[tilespmem:s5], [sflag:$0x1] =	stream.indirect.gather [hbm4b:s4+s13], $0x40, s6, s13, $0xb8;
	[tilespmem:$0x10400] =	vst v63  }
0x61: {  	_ =	swait.ge [sflag:s15], $0x2000  }
0x62: {  	[sflag:s15] =	ssyncset.done $0x0  }
0x63: {  	[sflag:s15] =	ssyncadd.s32 $0xFFFFE000  }
0x64: {  	_ =	swait.ge [sflag:s15], $0x2000  }
0x65: {  	[sflag:s15] =	ssyncset.done $0x0  }
0x66: {  	[sflag:s15] =	ssyncadd.s32 $0xFFFFE000  }
0x67: {  	_ =	swait.ge [sflag:s15], $0x2000  }
0x68: {  	p3 =	seq.s32 s28, $0x6600;
	s0 =	sadd.s32 $0xFFFFFE00, s28;
	[sflag:s15] =	ssyncset.done $0x0  }
0x69: {  	s0 =	simm.s32 @p3 $0x0;
	[sflag:s15] =	ssyncadd.s32 $0xFFFFE000  }
0x6a: {  	s0 =	sadd.s32 s7, s0;
	_ =	swait.ge [sflag:s15], $0x2000  }
0x6b: {  	s0 =	sshrl.u32 s0, $0x3;
	[sflag:s15] =	ssyncset.done $0x0  }
0x6c: {  	s0 =	sadd.s32 s1, s0;
	[sflag:s15] =	ssyncadd.s32 $0xFFFFE000  }
0x6d: {  	[tilespmem:s3], [sflag:$0x5] =	stream.linear.gather [hbm4b:s0+s3], $0x200, $0x38;
	[tilespmem:$0x10400] =	vst v63  }
0x6e: {  	s0 =	simm.s32 @!p0 $0x4  }
0x6f: {  	[hbm4b:s29+s3] =	stream.linear.scatter [tilespmem:s14], [sflag:$0x3], $0x8000, $0x38;
	[tilespmem:$0x10400] =	vst v63  }
0x70: {  	_ =	swait.ge @!p0 [sflag:s0], $0x8000  }
0x71: {  	[sflag:s0] =	ssyncset.done @!p0 $0x0  }
0x72: {  	[sflag:s0] =	ssyncadd.s32 @!p0 $0xFFFF8000  }
0x73: {  	s28 =	simm.s32 @p3 $0x200;
	_ =	swait.ge [sflag:s16], $0x200  }
0x74: {  	s2 =	smov.u32 s30;
	s8 =	sadd.s32 s7, s28;
	[sflag:s16] =	ssyncset.done $0x0  }
0x75: {  	s28 =	smov.u32 s2;
	s2 =	rddreg [dreg:$0xa];
	[sflag:s16] =	ssyncadd.s32 $0xFFFFFE00  }
0x76: {  	[tilespmem:s17], [sflag:$0x2] =	stream.indirect.gather [hbm4b:s4+s13], $0x40, s11, s13, $0xb8;
	[tilespmem:$0x10400] =	vst v63  }
0x77: {  	s6 =	rddreg [dreg:$0x9]  }
0x78: {  	[tilespmem:s2], [sflag:$0x2] =	stream.indirect.gather [hbm4b:s4+s13], $0x40, s6, s13, $0xb8;
	[tilespmem:$0x10400] =	vst v63  }
0x79: {  	_ = 	snop  }
0x7a: {  	[tilespmem:s19], [sflag:$0x2] =	stream.indirect.gather [hbm4b:s4+s13], $0x40, s18, s13, $0xb8;
	[tilespmem:$0x10400] =	vst v63  }
0x7b: {  	_ = 	snop  }
0x7c: {  	[tilespmem:s21], [sflag:$0x2] =	stream.indirect.gather [hbm4b:s4+s13], $0x40, s20, s13, $0xb8;
	[tilespmem:$0x10400] =	vst v63  }
0x7d: {  	_ =	swait.ge [sflag:s22], $0x2000  }
0x7e: {  	[sflag:s22] =	ssyncset.done $0x0  }
0x7f: {  	[sflag:s22] =	ssyncadd.s32 $0xFFFFE000  }
0x80: {  	_ =	swait.ge [sflag:s22], $0x2000  }
0x81: {  	[sflag:s22] =	ssyncset.done $0x0  }
0x82: {  	[sflag:s22] =	ssyncadd.s32 $0xFFFFE000  }
0x83: {  	p2 =	seq.s32 s30, $0x600;
	s30 =	sadd.s32 $0x400, s30;
	_ =	swait.ge [sflag:s22], $0x2000  }
0x84: {  	p1 =	sne.s32 s30, $0x6A00;
	[sflag:s22] =	ssyncset.done $0x0  }
.Ltmp0:
0x85: {  	[sflag:s22] =	ssyncadd.s32 $0xFFFFE000;
	(pc) =	sbr.rel @p1 .LBB2_2-.Ltmp0, $4  }
0x86: {  	s31 =	smov.u32 s26;
	s5 =	sshrl.u32 s8, $0x3;
	_ =	swait.ge [sflag:s22], $0x2000  }
0x87: {  	s26 =	sadd.s32 $0x2000, s26;
	s8 =	sadd.s32 s1, s5;
	[sflag:s22] =	ssyncset.done $0x0  }
0x88: {  	s29 =	sadd.s32 $0x2000, s29;
	p0 =	por p2, p2;
	[sflag:s22] =	ssyncadd.s32 $0xFFFFE000  }
0x89: {  	[tilespmem:s11], [sflag:$0x6] =	stream.linear.gather [hbm4b:s8+s3], $0x200, $0x38;
	[tilespmem:$0x10400] =	vst v63  }
0x8a: {  	s0 =	simm.s32 @!p0 $0x3  }
0x8b: {  	[hbm4b:s31+s3] =	stream.linear.scatter [tilespmem:s17], [sflag:$0x4], $0x8000, $0x38;
	[tilespmem:$0x10400] =	vst v63  }
0x8c: {  	_ =	swait.ge @!p0 [sflag:s0], $0x8000  }
0x8d: {  	[sflag:s0] =	ssyncset.done @!p0 $0x0  }
0x8e: {  	[sflag:s0] =	ssyncadd.s32 @!p0 $0xFFFF8000  }
0x8f: {  	_ =	swait.ge [sflag:s12], $0x200  }
0x90: {  	s30 =	rddreg [dreg:$0x5];
	[sflag:s12] =	ssyncset.done $0x0  }
0x91: {  	s2 =	rddreg [dreg:$0x4];
	[sflag:s12] =	ssyncadd.s32 $0xFFFFFE00  }
0x92: {  	[tilespmem:s14], [sflag:$0x1] =	stream.indirect.gather [hbm4b:s4+s13], $0x40, s3, s13, $0xb8;
	[tilespmem:$0x10400] =	vst v63  }
0x93: {  	s5 =	rddreg [dreg:$0x6]  }
0x94: {  	[tilespmem:s2], [sflag:$0x1] =	stream.indirect.gather [hbm4b:s4+s13], $0x40, s13, s13, $0xb8;
	[tilespmem:$0x10400] =	vst v63  }
0x95: {  	s6 =	rddreg [dreg:$0x8]  }
0x96: {  	[tilespmem:s5], [sflag:$0x1] =	stream.indirect.gather [hbm4b:s4+s13], $0x40, s30, s13, $0xb8;
	[tilespmem:$0x10400] =	vst v63  }
0x97: {  	s31 =	rddreg [dreg:$0x7]  }
0x98: {  	[tilespmem:s6], [sflag:$0x1] =	stream.indirect.gather [hbm4b:s4+s13], $0x40, s31, s13, $0xb8;
	[tilespmem:$0x10400] =	vst v63  }
0x99: {  	_ =	swait.ge [sflag:s15], $0x2000  }
0x9a: {  	[sflag:s15] =	ssyncset.done $0x0  }
0x9b: {  	[sflag:s15] =	ssyncadd.s32 $0xFFFFE000  }
0x9c: {  	_ =	swait.ge [sflag:s15], $0x2000  }
0x9d: {  	[sflag:s15] =	ssyncset.done $0x0  }
0x9e: {  	[sflag:s15] =	ssyncadd.s32 $0xFFFFE000  }
0x9f: {  	_ =	swait.ge [sflag:s15], $0x2000  }
0xa0: {  	p1 =	seq.s32 s28, $0x6600;
	s0 =	sadd.s32 $0xFFFFFE00, s28;
	[sflag:s15] =	ssyncset.done $0x0  }
0xa1: {  	s0 =	simm.s32 @p1 $0x0;
	[sflag:s15] =	ssyncadd.s32 $0xFFFFE000  }
0xa2: {  	s0 =	sadd.s32 s7, s0;
	_ =	swait.ge [sflag:s15], $0x2000  }
0xa3: {  	s0 =	sshrl.u32 s0, $0x3;
	[sflag:s15] =	ssyncset.done $0x0  }
0xa4: {  	s0 =	sadd.s32 s1, s0;
	[sflag:s15] =	ssyncadd.s32 $0xFFFFE000  }
0xa5: {  	[tilespmem:s3], [sflag:$0x5] =	stream.linear.gather [hbm4b:s0+s3], $0x200, $0x38;
	[tilespmem:$0x10400] =	vst v63  }
0xa6: {  	s0 =	simm.s32 @!p0 $0x4  }
0xa7: {  	[hbm4b:s29+s3] =	stream.linear.scatter [tilespmem:s14], [sflag:$0x3], $0x8000, $0x38;
	[tilespmem:$0x10400] =	vst v63  }
0xa8: {  	_ =	swait.ge @!p0 [sflag:s0], $0x8000  }
0xa9: {  	[sflag:s0] =	ssyncset.done @!p0 $0x0  }
0xaa: {  	[sflag:s0] =	ssyncadd.s32 @!p0 $0xFFFF8000  }
0xab: {  	_ =	swait.ge [sflag:s16], $0x200  }
0xac: {  	[sflag:s16] =	ssyncset.done $0x0  }
0xad: {  	s8 =	rddreg [dreg:$0xa];
	[sflag:s16] =	ssyncadd.s32 $0xFFFFFE00  }
0xae: {  	[tilespmem:s17], [sflag:$0x2] =	stream.indirect.gather [hbm4b:s4+s13], $0x40, s11, s13, $0xb8;
	[tilespmem:$0x10400] =	vst v63  }
0xaf: {  	s29 =	rddreg [dreg:$0x9]  }
0xb0: {  	[tilespmem:s8], [sflag:$0x2] =	stream.indirect.gather [hbm4b:s4+s13], $0x40, s29, s13, $0xb8;
	[tilespmem:$0x10400] =	vst v63  }
0xb1: {  	_ = 	snop  }
0xb2: {  	[tilespmem:s19], [sflag:$0x2] =	stream.indirect.gather [hbm4b:s4+s13], $0x40, s18, s13, $0xb8;
	[tilespmem:$0x10400] =	vst v63  }
0xb3: {  	_ = 	snop  }
0xb4: {  	[tilespmem:s21], [sflag:$0x2] =	stream.indirect.gather [hbm4b:s4+s13], $0x40, s20, s13, $0xb8;
	[tilespmem:$0x10400] =	vst v63  }
0xb5: {  	_ =	swait.ge [sflag:s22], $0x2000  }
0xb6: {  	[sflag:s22] =	ssyncset.done $0x0  }
0xb7: {  	[sflag:s22] =	ssyncadd.s32 $0xFFFFE000  }
0xb8: {  	_ =	swait.ge [sflag:s22], $0x2000  }
0xb9: {  	[sflag:s22] =	ssyncset.done $0x0  }
0xba: {  	[sflag:s22] =	ssyncadd.s32 $0xFFFFE000  }
0xbb: {  	_ =	swait.ge [sflag:s22], $0x2000  }
0xbc: {  	[sflag:s22] =	ssyncset.done $0x0  }
0xbd: {  	s28 =	simm.s32 @p1 $0x200;
	[sflag:s22] =	ssyncadd.s32 $0xFFFFE000  }
0xbe: {  	s30 =	sadd.s32 s7, s28;
	_ =	swait.ge [sflag:s22], $0x2000  }
0xbf: {  	s0 =	sshrl.u32 s30, $0x3;
	[sflag:s22] =	ssyncset.done $0x0  }
0xc0: {  	s0 =	sadd.s32 s1, s0;
	[sflag:s22] =	ssyncadd.s32 $0xFFFFE000  }
0xc1: {  	[tilespmem:s11], [sflag:$0x6] =	stream.linear.gather [hbm4b:s0+s3], $0x200, $0x38;
	[tilespmem:$0x10400] =	vst v63  }
0xc2: {  	_ = 	snop  }
0xc3: {  	[hbm4b:s26+s3] =	stream.linear.scatter [tilespmem:s17], [sflag:$0x4], $0x8000, $0x38;
	[tilespmem:$0x10400] =	vst v63  }
0xc4: {  	_ =	swait.ge [sflag:s23], $0x8000  }
0xc5: {  	[sflag:s23] =	ssyncset.done $0x0  }
0xc6: {  	[sflag:s23] =	ssyncadd.s32 $0xFFFF8000  }
0xc7: {  	_ =	swait.ge [sflag:s12], $0x200  }
0xc8: {  	[sflag:s12] =	ssyncset.done $0x0  }
0xc9: {  	[sflag:s12] =	ssyncadd.s32 $0xFFFFFE00  }
0xca: {  	_ =	swait.ge [sflag:s24], $0x8000  }
0xcb: {  	[sflag:s24] =	ssyncset.done $0x0  }
0xcc: {  	[sflag:s24] =	ssyncadd.s32 $0xFFFF8000  }
0xcd: {  	_ =	swait.ge [sflag:s16], $0x200  }
0xce: {  	s25 =	sadd.s32 $0x1, s25;
	s31 =	rddreg [dreg:$0xd]  }
0xcf: {  	p0 =	sne.s32 s25, s31  }
.Ltmp1:
0xd0: {  	_ = 	snop;
	(pc) =	sbr.rel @p0 .LBB2_1-.Ltmp1, $3  }
0xd1: {  	_ =	sdelay $0x1  }
0xd2: {  	[sflag:s16] =	ssyncset.done $0x0  }
0xd3: {  	[sflag:s16] =	ssyncadd.s32 $0xFFFFFE00  }
0xd4: {  	_ =	sfence.sel $0x180000  }
0xd5: {  	[bflag:$0x0] =	sbarrier.arrive $0xFFFF  }
0xd6: {  	_ =	strace $0x90000047  }
0xd7: {  	s0 =	stileid.u32;
	[bflag:$0x2] =	sbarrier.arrive $0xFFFF  }
0xd8: {  	p0 =	sne.s32 s0, $0x0;
	s0 =	rddreg [dreg:$0x3]  }
0xd9: {  	s0 =	sadd.s32 @!p0 $0x100000, s0  }
0xda: {  	[sflag:s0] =	ssyncadd.tile.s32 @!p0 $0x1;
	_ =	shalt  }
.Lfunc_end2:
_tile_overlayer_lowered:
.L_overlay_start_2:
0xdb: {  	(tag) =	ssettag $0x2  }
0xdc: {  	s0 =	rddreg [dreg:$0x0];
	s2 =	stileid.u32  }
0xdd: {  	s1 =	rddreg [dreg:$0x1];
	p0 =	sne.s32 s2, $0x0  }
0xde: {  	s3 =	rddreg [dreg:$0x2];
	[bflag:$0x3] =	sbarrier.arrive $0xFFFF;
	s2 =	simm.s32 @!p0 $0x1C07  }
0xdf: {  	[timem:s3], [sflag:s2] =	dma.local @!p0 [hbm:s0], s1  }
0xe0: {  	s0 =	simm.s32 @!p0 $0x7  }
0xe1: {  	_ =	swait.ge @!p0 [sflag:s0], s1  }
0xe2: {  	s1 =	ssub.s32 @!p0 $0x0, s1;
	[sflag:s0] =	ssyncset.done @!p0 $0x0  }
0xe3: {  	[sflag:s0] =	ssyncadd.s32 @!p0 s1  }
0xe4: {  	[bflag:$0x3] =	sbarrier.arrive $0xFFFF  }
0xe5: {  	_ =	shalt  }

// kernel: sparse-core-data-format-call.cloned.1.call-start
scs
called_computation_lowered:
.L_overlay_start_0:
0x0: {  	s2 =	sld [smem:$0x3FD9]  }
0x1: {  	s3 =	sld [smem:$0x3FFE];
	_ =	sdelay $0x1  }
0x2: {  	s1 =	srdreg.scid  }
0x3: {  	s0 =	sand.u32 $0x1, s1  }
0x4: {  	s18 =	sshll.u32 s0, $0xA;
	s2 =	sadd.s32 s3, s2  }
0x5: {  	s2 =	sadd.s32 s2, s18  }
0x6: {  	[smem:$0x3FC6] =	sst s2  }
0x7: {  	_ = 	snop  }
0x8: {  	s2 =	sld [smem:$0x3FD0];
	(tm) =	ssettm $0x1  }
0x9: {  	s19 =	sld [smem:$0x3FFB];
	_ =	sdelay $0x3  }
0xa: {  	_ =	strace s19  }
0xb: {  	s3 =	sld [smem:$0x3FFC];
	_ =	sdelay $0x3  }
0xc: {  	_ =	strace s3  }
0xd: {  	s3 =	sld [smem:$0x3FFD];
	_ =	sdelay $0x3  }
0xe: {  	_ =	strace s3  }
0xf: {  	_ =	strace $0x8FFFFFFF  }
0x10: {  	s20 =	sld [smem:$0x3FDB];
	_ =	sdelay $0x1  }
0x11: {  	s4 =	simm.s32 $_scs_section_size  }
0x12: {  	s5 =	simm.s32 $_size__tile_overlayer_lowered;
	s6 =	simm.s32 $_tile_overlayer_lowered  }
0x13: {  	s23 =	simm.s32 $0x1BFF;
	s22 =	sshll.u32 s6, $0x1;
	s3 =	sadd.s32 s4, s20  }
0x14: {  	s7 =	simm.s32 $0x0;
	s21 =	sshll.u32 s5, $0x1;
	s5 =	sadd.s32 s22, s3  }
0x15: {  	[timem:s7], [sflag:s23] =	dma.local [hbm:s5], s21  }
0x16: {  	_ =	swait.ge [sflag:s23], s21  }
0x17: {  	s4 =	ssub.s32 $0x0, s21;
	[sflag:s23] =	ssyncset.done $0x0  }
0x18: {  	[sflag:s23] =	ssyncadd.s32 s4;
	_ =	sdelay $0x1  }
0x19: {  	s24 =	simm.s32 $0x1B8B  }
0x1a: {  	_ =	swait.ge [sflag:s24], $0x1  }
0x1b: {  	[sflag:s24] =	ssyncset.done $0x0  }
0x1c: {  	s26 =	simm.s32 $0x1B8E;
	s25 =	sld [smem:$0x3FFE];
	[sflag:s24] =	ssyncadd.s32 $0xFFFFFFFF  }
0x1d: {  	s27 =	simm.s32 $execute0_lowered;
	[smem:$0x3FD2] =	sst s26  }
0x1e: {  	s5 =	sshll.u32 s27, $0x1;
	_ =	strace $0x80000049;
	[dreg:$0x1] =	wrdreg $0xFFFFFFFF  }
0x1f: {  	s28 =	simm.s32 $_size_execute0_lowered;
	s3 =	sadd.s32 s3, s5;
	[dreg:$0x0] =	wrdreg $0x0  }
0x20: {  	s5 =	sshll.u32 s28, $0x1;
	[dreg:$0x2] =	wrdreg s3  }
0x21: {  	[dreg:$0x3] =	wrdreg s5  }
0x22: {  	[dreg:$0x4] =	wrdreg $0xC0  }
0x23: {  	_ =	task [dreg:s7], $0x5FFFF  }
0x24: {  	[dreg:$0x1] =	wrdreg $0xFFFFFFFF  }
0x25: {  	[dreg:$0x0] =	wrdreg $0x60  }
0x26: {  	[dreg:$0x2] =	wrdreg s25  }
0x27: {  	[dreg:$0x3] =	wrdreg s2  }
0x28: {  	[dreg:$0x4] =	wrdreg $0x9  }
0x29: {  	_ =	task.clear_ibuf [dreg:s7], $0x5FFFF;
	_ =	strace $0x90000049  }
0x2a: {  	s29 =	simm.s32 $0x9;
	_ =	strace $0x8000004B  }
0x2b: {  	_ =	swait.ge [sflag:s29], $0x1  }
0x2c: {  	[sflag:s29] =	ssyncadd.s32 $0xFFFFFFFF  }
0x2d: {  	_ =	strace $0x9000004B  }
0x2e: {  	_ =	sfence  }
0x2f: {  	s30 =	sld [smem:$0x0];
	_ =	sdelay $0x2  }
0x30: {  	s31 =	sshll.u32 s1, $0xD;
	s1 =	sshrl.u32 s1, $0x2  }
0x31: {  	s3 =	sand.u32 $0x4000, s31;
	s1 =	sadd.s32 s1, s30  }
0x32: {  	s0 =	sor.u32 s3, s0;
	s1 =	sshll.u32 s1, $0x11  }
0x33: {  	s0 =	sor.u32 s1, s0  }
0x34: {  	s0 =	sadd.s32 $0x8F2B, s0  }
0x35: {  	[sflag:s0] =	ssyncadd.remote.s32 $0x1  }
0x36: {  	_ =	sfence.sel $0xFFFF  }
0x37: {  	[dreg:$0x0] =	wrdreg $0xFFFFFFFF;
	(pc) =	sbr.abs _section_cstart, $3  }
0x38: {  	[dreg:$0x1] =	wrdreg $0xFFFFFFFF  }
0x39: {  	_ =	task.clear_ibuf [dreg:s7], $0x2FFFF;
	_ =	strace $0x9FFFFFFF  }
0x3a: {  	(tm) =	ssettm $0x7FFFFFFF  }
0x3b: {  	_ =	shalt  }
tec
execute0_lowered:
.L_overlay_start_1:
0x0: {  	(tag) =	ssettag $0x1  }
0x1: {  	s0 =	srdreg.scid  }
0x2: {  	s1 =	sshll.u32 s0, $0x4  }
0x3: {  	s4 =	rddreg [dreg:$0x0];
	s0 =	stileid.u32;
	s1 =	sand.u32 $0x10, s1  }
0x4: {  	s2 =	rddreg [dreg:$0x1];
	s7 =	simm.s32 $0x1;
	s1 =	sor.u32 s0, s1  }
0x5: {  	s8 =	simm.s32 $0x2;
	s11 =	simm.s32 $0x0;
	s3 =	sshll.u32 s1, $0x7  }
0x6: {  	s10 =	simm.s32 $0x0;
	s4 =	sadd.s32 $0x800, s4;
	s6 =	ssub.s32 $0xC8000, s3  }
.Ltmp0:
0x7: {  	s1 =	rddreg [dreg:$0x2];
	s5 =	sand.u32 $0xF80, s6;
	(pc) =	sbr.rel .LBB1_1-.Ltmp0, $4  }
0x8: {  	_ =	strace $0x8000004A;
	s9 =	smov.u32 s3;
	p0 =	sne.s32 s5, $0x0  }
0x9: {  	s6 =	sshrl.u32 s6, $0xC;
	s5 =	simm.s32 $0x1;
	s7 =	simm.s32 @!p0 $0x0  }
0xa: {  	[sflag:s5] =	ssyncpa.u1 $0x0;
	p0 =	por $0x0, $0x0;
	s6 =	sadd.s32 s7, s6  }
0xb: {  	[sflag:s8] =	ssyncpa.u1 $0x0;
	s8 =	simm.s32 $0x640000;
	s7 =	sadd.s32 $0x1, s6  }
.LBB1_4:
0xc: {  	s14 =	sshll.u32 s11, $0x3  }
0xd: {  	s30 =	sand.u32 $0x7F, s11;
	s15 =	sand.u32 $0xFFFFFC00, s14  }
0xe: {  	s11 =	sor.u32 s30, s15  }
0xf: {  	s15 =	smulhi.u32 $0x51EB851F, s11  }
0x10: {  	s14 =	smulhi.u32 $0x51EB851F, s14  }
0x11: {  	s15 =	sshrl.u32 s15, $0x12  }
0x12: {  	s14 =	sshrl.u32 s14, $0x12;
	s15 =	smul.u32 $0xC8000, s15  }
0x13: {  	s14 =	sand.u32 $0x3F, s14  }
0x14: {  	s14 =	smul.u32 $0x19000, s14;
	s11 =	ssub.s32 s11, s15  }
0x15: {  	[tilespmem:s13+$0x810 ss:$0x81] =	vst.msk $0xffff, v2;
	s15 =	sand.u32 $0x7, s11  }
0x16: {  	[tilespmem:s13+$0x1020 ss:$0x81] =	vst.msk $0xffff, v0;
	s14 =	sadd.s32 s2, s14;
	s11 =	sshrl.u32 s11, $0x3;
	s15 =	sshll.u32 s15, $0x12  }
0x17: {  	[tilespmem:s13+$0x0 ss:$0x81] =	vst.msk $0xffff, v1;
	s11 =	sadd.s32 s11, s14;
	s31 =	sor.u32 $0x400, s15  }
0x18: {  	[hbm4b:s11+s31] =	stream.strided.scatter [tilespmem:s12], [sflag:$0x2], $0x2000, s8, s31, $0x20;
	[tilespmem:$0x8080] =	vst v63  }
.LBB1_5:
0x19: {  	s13 =	sadd.s32 $0x1000, s9  }
0x1a: {  	p2 =	sgt.s32 s13, $0xC7FFF  }
0x1b: {  	s13 =	smov.u32 @p2 s3;
	p2 =	sne.s32 s10, s7  }
.Ltmp1:
0x1c: {  	p1 =	slt.u32 s10, $0x2;
	(pc) =	sbr.rel @!p2 .LBB1_6-.Ltmp1, $4  }
0x1d: {  	s12 =	simm.s32 @!p1 $0x2  }
0x1e: {  	s14 =	sadd.s32 $0x1, s10;
	_ =	swait.ge @!p1 [sflag:s12], $0x2000  }
0x1f: {  	s11 =	smov.u32 s9;
	p0 =	por !p0, !p0;
	[sflag:s12] =	ssyncset.done @!p1 $0x0  }
0x20: {  	s10 =	smov.u32 s14;
	s9 =	smov.u32 s13;
	[sflag:s12] =	ssyncadd.s32 @!p1 $0xFFFFE000  }
.LBB1_1:
0x21: {  	p1 =	sge.u32 s10, s6  }
0x22: {  	s12 =	sand.u32 @!p1 $0x1FFFFFF, s9  }
0x23: {  	s13 =	smulhi.u32 @!p1 $0x147AE15, s12;
	_ =	sdelay $0x1  }
0x24: {  	s13 =	sshrl.u32 @!p1 s13, $0xC  }
0x25: {  	s13 =	smul.u32 @!p1 $0xC8000, s13;
	_ =	sdelay $0x1  }
0x26: {  	s31 =	sadd.s32 $0xFFFFFFFF, s10;
	s14 =	sxor.u32 @!p1 $0xFFFFFFFF, s10;
	s12 =	ssub.s32 @!p1 s12, s13  }
0x27: {  	s15 =	simm.s32 @!p1 $0x80;
	s14 =	sshll.u32 @!p1 s14, $0xD;
	s12 =	sshll.u32 @!p1 s12, $0x4  }
0x28: {  	s13 =	sand.u32 @!p1 $0x2000, s14;
	s14 =	simm.s32 @!p1 $0x40;
	s12 =	sadd.s32 @!p1 s4, s12  }
0x29: {  	[tilespmem:s13], [sflag:$0x1] =	stream.strided.gather @!p1 [hbm4b:s12+s14], $0x2000, s15, s14, $0x38;
	[tilespmem:$0x8080] =	vst v63  }
0x2a: {  	p1 =	sge.u32 s31, s6  }
.Ltmp2:
0x2b: {  	_ = 	snop;
	(pc) =	sbr.rel @p1 .LBB1_5-.Ltmp2, $1  }
0x2c: {  	_ =	sdelay $0x3  }
0x2d: {  	s12 =	simm.s32 $0x1  }
0x2e: {  	_ =	swait.ge [sflag:s5], $0x2000;
	s12 =	simm.s32 @!p0 $0x0  }
0x2f: {  	[sflag:s5] =	ssyncset.done $0x0;
	s13 =	sshll.u32 s12, $0xD  }
0x30: {  	[sflag:s5] =	ssyncadd.s32 $0xFFFFE000;
	s16 =	sor.u32 $0x20, s13  }
0x31: {  	s12 =	smul.u32 $0x8100, s12;
	v3 =	vld [tilespmem:s16+$0x10]  }
0x32: {  	s30 =	sand.u32 $0x1, s10;
	v2 =	vld [tilespmem:s16+$0xFFFFFFF0]  }
0x33: {  	s13 =	smul.u32 $0x8100, s30;
	s12 =	sshrl.u32 s12, $0x2;
	v0 =	vld [tilespmem:s16+$0x0]  }
0x34: {  	v1 =	vld [tilespmem:s16+$0xFFFFFFE0];
	s14 =	sor.u32 $0x4000, s12  }
0x35: {  	s31 =	sshrl.u32 s13, $0x2;
	s13 =	sadd.s32 $0x0, s14  }
0x36: {  	s15 =	simm.s32 $0x4;
	s16 =	sadd.s32 $0x40, s16;
	s12 =	sor.u32 $0x4000, s31;
	[tilespmem:s13+$0x1830 ss:$0x81] =	vst.msk $0xffff, v3  }
.LBB1_3:
0x37: {  	v3 =	vld [tilespmem:s16+$0x10];
	p1 =	sne.s32 s15, $0x1FC;
	[tilespmem:s13+$0x810 ss:$0x81] =	vst.msk $0xffff, v2;
	s17 =	smov.u32 s15;
	s15 =	sadd.s32 $0x4, s15  }
.Ltmp3:
0x38: {  	v2 =	vld [tilespmem:s16+$0xFFFFFFF0];
	[tilespmem:s13+$0x1020 ss:$0x81] =	vst.msk $0xffff, v0;
	(pc) =	sbr.rel @p1 .LBB1_3-.Ltmp3, $4  }
0x39: {  	v0 =	vld [tilespmem:s16+$0x0];
	[tilespmem:s13+$0x0 ss:$0x81] =	vst.msk $0xffff, v1  }
0x3a: {  	s13 =	sshra.s32 s17, $0x2;
	v1 =	vld [tilespmem:s16+$0xFFFFFFE0]  }
0x3b: {  	s13 =	sadd.s32 s13, s14  }
0x3c: {  	s16 =	sadd.s32 $0x40, s16;
	[tilespmem:s13+$0x1830 ss:$0x81] =	vst.msk $0xffff, v3  }
.Ltmp4:
0x3d: {  	_ = 	snop;
	(pc) =	sbr.rel .LBB1_4-.Ltmp4, $1  }
0x3e: {  	_ =	sdelay $0x3  }
.LBB1_6:
0x3f: {  	_ =	sfence.sel $0x180000  }
0x40: {  	s2 =	simm.s32 $0x1;
	[bflag:$0x0] =	sbarrier.arrive $0xFFFF  }
0x41: {  	s31 =	simm.s32 $0x2;
	[sflag:s2] =	ssyncpa.u1 $0x1  }
0x42: {  	[sflag:s31] =	ssyncpa.u1 $0x1  }
0x43: {  	p0 =	sne.s32 s0, $0x0;
	_ =	strace $0x9000004A  }
0x44: {  	s0 =	sadd.s32 @!p0 $0x100000, s1;
	[bflag:$0x2] =	sbarrier.arrive $0xFFFF  }
0x45: {  	[sflag:s0] =	ssyncadd.tile.s32 @!p0 $0x1;
	_ =	shalt  }
.Lfunc_end1:
_tile_overlayer_lowered:
.L_overlay_start_2:
0x46: {  	(tag) =	ssettag $0x2  }
0x47: {  	s0 =	rddreg [dreg:$0x0];
	s2 =	stileid.u32  }
0x48: {  	s1 =	rddreg [dreg:$0x1];
	p0 =	sne.s32 s2, $0x0  }
0x49: {  	s3 =	rddreg [dreg:$0x2];
	[bflag:$0x3] =	sbarrier.arrive $0xFFFF;
	s2 =	simm.s32 @!p0 $0x1C01  }
0x4a: {  	[timem:s3], [sflag:s2] =	dma.local @!p0 [hbm:s0], s1  }
0x4b: {  	s0 =	simm.s32 @!p0 $0x1  }
0x4c: {  	_ =	swait.ge @!p0 [sflag:s0], s1  }
0x4d: {  	s1 =	ssub.s32 @!p0 $0x0, s1;
	[sflag:s0] =	ssyncset.done @!p0 $0x0  }
0x4e: {  	[sflag:s0] =	ssyncadd.s32 @!p0 s1  }
0x4f: {  	[bflag:$0x3] =	sbarrier.arrive $0xFFFF  }
0x50: {  	_ =	shalt  }

</sc_bundles>
